<compile_context>
chip_gen: v7x
topology: tpu7x:2x2x1
jax: 0.10.2.dev20260603
libtpu: 0.0.44.dev20260713+nightly
codegen_flags: <defaults>
</compile_context>

<pallas_src>
import functools

import jax
import jax.numpy as jnp
from jax import lax
from jax.experimental import pallas as pl
from jax.experimental.pallas import tpu as pltpu
from jax.experimental.pallas import tpu_sc as plsc

SCALE = 30.0
NC = 2
NS = 16
L = 16
NW = NC * NS
TCB = 1024


def _fast_log(x):
    bits = lax.bitcast_convert_type(x, jnp.int32)
    e = (bits >> 23) - 127
    m = lax.bitcast_convert_type(
        (bits & 0x007FFFFF) | 0x3F800000, jnp.float32)
    big = m > 1.4142135623730951
    m = jnp.where(big, m * 0.5, m)
    e = jnp.where(big, e + 1, e)
    z = (m - 1.0) / (m + 1.0)
    z2 = z * z
    p = 2.0 * z * (1.0 + z2 * (1.0 / 3.0 + z2 * (0.2 + z2 * (1.0 / 7.0))))
    return e.astype(jnp.float32) * 0.6931471805599453 + p


def _make_sc_kernel(B_sc, C, B):
    rows_w = B_sc // NW
    words_w = rows_w * C
    prows_w = words_w // 128
    groups = rows_w // L
    inv_b = 1.0 / B

    mesh = plsc.VectorSubcoreMesh(core_axis_name="c", subcore_axis_name="s")

    @functools.partial(
        pl.kernel,
        out_type=jax.ShapeDtypeStruct((NW, L), jnp.float32),
        mesh=mesh,
        compiler_params=pltpu.CompilerParams(needs_layout_passes=False),
        scratch_types=[
            pltpu.VMEM((prows_w, 128), jnp.float32),
            pltpu.VMEM((rows_w,), jnp.int32),
            pltpu.VMEM((C,), jnp.float32),
            pltpu.VMEM((L,), jnp.float32),
        ],
    )
    def body(logits_hbm, targets_hbm, mlist_hbm, out_hbm,
             logits_v, targets_v, mlist_v, stage_v):
        cid = lax.axis_index("c")
        sid = lax.axis_index("s")
        wid = cid * NS + sid

        pltpu.sync_copy(logits_hbm.at[pl.ds(wid * prows_w, prows_w), :],
                        logits_v)
        pltpu.sync_copy(targets_hbm.at[pl.ds(wid * rows_w, rows_w)], targets_v)
        pltpu.sync_copy(mlist_hbm, mlist_v)

        lane = lax.iota(jnp.int32, 16)

        U = 10

        def gather_flat(o):
            return plsc.load_gather(logits_v, [o >> 7, o & 127])

        def group_body(g, acc):
            rows = g * L + lane
            ob = rows * C
            t = plsc.load_gather(targets_v, [rows])
            mg = plsc.load_gather(mlist_v, [t])
            st = gather_flat(ob + t)

            def max_body(jj, ms):
                j = jj * U
                return tuple(
                    jnp.maximum(ms[u], gather_flat(ob + (j + u)))
                    for u in range(U))

            neg = jnp.full((L,), -jnp.inf, jnp.float32)
            ms = list(lax.fori_loop(0, C // U, max_body, (neg,) * U))
            while len(ms) > 1:
                ms = [jnp.maximum(ms[i], ms[i + 1]) if i + 1 < len(ms)
                      else ms[i] for i in range(0, len(ms), 2)]
            mx = ms[0]

            def sum_body(jj, ss):
                j = jj * U
                out = []
                for u in range(U):
                    v = gather_flat(ob + (j + u))
                    v = v - jnp.where(t == j + u, mg, 0.0)
                    out.append(ss[u] + jnp.exp((v - mx) * SCALE))
                return tuple(out)

            zero = jnp.zeros((L,), jnp.float32)
            ss = list(lax.fori_loop(0, C // U, sum_body, (zero,) * U))
            while len(ss) > 1:
                ss = [ss[i] + ss[i + 1] if i + 1 < len(ss)
                      else ss[i] for i in range(0, len(ss), 2)]
            s = ss[0]
            nll = SCALE * (mx - st + mg) + _fast_log(s)
            return acc + nll

        acc = lax.fori_loop(0, groups, group_body,
                            jnp.zeros((L,), jnp.float32))

        stage_v[...] = acc * inv_b
        pltpu.sync_copy(stage_v, out_hbm.at[wid])

    return body


def _make_tc_half_kernel(B, C, row0):
    inv_b = 1.0 / B
    nsteps = (B - row0) // TCB
    blk0 = row0 // TCB

    def tc_body(x_ref, t_ref, m_ref, out_ref):
        i = pl.program_id(0)
        x = x_ref[...] * SCALE
        t = t_ref[0, 0, :]
        ml = m_ref[0, 0, :]
        iota_c = lax.broadcasted_iota(jnp.int32, (TCB, C), 1)
        mask = iota_c == t[:, None]
        mg = jnp.sum(jnp.where(mask, ml[None, :] * SCALE, 0.0), axis=1)
        z = jnp.where(mask, x - mg[:, None], x)
        zt = jnp.sum(jnp.where(mask, z, 0.0), axis=1)
        mx = jnp.max(z, axis=1)
        s = jnp.sum(jnp.exp(z - mx[:, None]), axis=1)
        nll = mx + jnp.log(s) - zt

        @pl.when(i == 0)
        def _():
            out_ref[0, 0] = 0.0

        out_ref[0, 0] += jnp.sum(nll) * inv_b

    return pl.pallas_call(
        tc_body,
        grid=(nsteps,),
        in_specs=[
            pl.BlockSpec((TCB, C), lambda i: (i + blk0, 0)),
            pl.BlockSpec((1, 1, TCB), lambda i: (i + blk0, 0, 0)),
            pl.BlockSpec((1, 1, C), lambda i: (0, 0, 0)),
        ],
        out_specs=pl.BlockSpec(memory_space=pltpu.SMEM),
        out_shape=jax.ShapeDtypeStruct((1, 1), jnp.float32),
    )


def _finish_body(parts_ref, tc_ref, out_ref):
    out_ref[0, 0] = jnp.sum(parts_ref[...]) + tc_ref[0, 0]


def kernel(logits, targets, m_list):
    B, C = logits.shape
    B_sc = B // 2
    sc = _make_sc_kernel(B_sc, C, B)
    parts = sc(logits[:B_sc].reshape(B_sc * C // 128, 128),
               targets[:B_sc], m_list)
    tc_half = _make_tc_half_kernel(B, C, B_sc)
    tc_part = tc_half(logits, targets.reshape(B // TCB, 1, TCB),
                      m_list.reshape(1, 1, C))
    total = pl.pallas_call(
        _finish_body,
        out_shape=jax.ShapeDtypeStruct((1, 1), jnp.float32),
        out_specs=pl.BlockSpec(memory_space=pltpu.SMEM),
    )(parts, tc_part)
    return total.reshape(())

# --- scband reference (transcript-rebuilt; emitter-appended) ---
"""Pipeline reference for scband-ldamloss-59038620451159 (READ-ONLY COPY).

The authoritative reference and input builder live on the scoring server;
editing this copy changes nothing except your own understanding.
"""

import jax, jax.numpy as jnp
import numpy as np

BATCH = 16384
NUM_CLASSES = 100
MAX_MARGIN = 0.5
SCALE = 30.0


def _make_m_list():
    cls_counts = np.array([5000 - 49 * i for i in range(NUM_CLASSES)], dtype=float)
    margins = 1.0 / np.sqrt(np.sqrt(cls_counts))
    margins = margins * (MAX_MARGIN / np.max(margins))
    return jnp.asarray(margins, dtype=jnp.float32)


def setup_inputs(seed: int = 0) -> dict:
    key = jax.random.key(seed)
    k1, k2 = jax.random.split(key)
    logits = jax.random.normal(k1, (BATCH, NUM_CLASSES), dtype=jnp.float32)
    targets = jax.random.randint(k2, (BATCH,), 0, NUM_CLASSES, dtype=jnp.int32)
    m_list = _make_m_list()  # non-learned buffer derived from cls_counts
    return {"logits": logits, "targets": targets, "m_list": m_list}


def reference(logits, targets, m_list):
    B, C = logits.shape
    # mask.scatter_(1, targets.view(-1,1), 1) -> one-hot bool mask
    mask_f = jax.nn.one_hot(targets, C, dtype=jnp.float32)
    mask = mask_f.astype(jnp.bool_)
    # margins = m_list[None,:] @ mask_float.T -> (1, B) -> view (B, 1)
    margins = jnp.matmul(m_list[None, :], mask_f.T).reshape(-1, 1)
    mask_margin = logits - margins
    adjusted_logits = jnp.where(mask, mask_margin, logits)
    z = SCALE * adjusted_logits
    logp = jax.nn.log_softmax(z, axis=-1)
    nll = -jnp.take_along_axis(logp, targets[:, None], axis=1)[:, 0]
    # F.cross_entropy with weight=None -> mean reduction
    return jnp.mean(nll)

if __name__ == "__main__":
    import jax
    _d = setup_inputs()
    print(jax.jit(kernel)(*tuple(_d.values())))

</pallas_src>

<mosaic_0001>
#map = affine_map<(d0, d1) -> (0, 0)>
#map1 = affine_map<(d0, d1) -> (0)>
module attributes {stable_mosaic.version = 14 : i64} {
  func.func @body(%arg0: i32, %arg1: i32, %arg2: memref<6400x128xf32, #tpu.memory_space<hbm>>, %arg3: memref<8192xi32, #tpu.memory_space<hbm>>, %arg4: memref<100xf32, #tpu.memory_space<hbm>>, %arg5: memref<32x16xf32, #tpu.memory_space<hbm>>, %arg6: memref<200x128xf32, #tpu.memory_space<vmem>>, %arg7: memref<256xi32, #tpu.memory_space<vmem>>, %arg8: memref<100xf32, #tpu.memory_space<vmem>>, %arg9: memref<16xf32, #tpu.memory_space<vmem>>) attributes {dimension_semantics = [#tpu.dimension_semantics<core_parallel>, #tpu.dimension_semantics<subcore_parallel>], iteration_bounds = array<i64: 2, 16>, scalar_prefetch = 0 : i64, scratch_operands = 4 : i64, tpu.core_type = #tpu.core_type<sc_vector_subcore>, window_params = [{transform_indices = #map}, {transform_indices = #map1}, {transform_indices = #map1}, {transform_indices = #map}]} {
    %mul3A = arith.constant 16 : i32
    %mul3A_0 = arith.muli %arg0, %mul3A : i32
    %add3A = arith.addi %mul3A_0, %arg1 : i32
    %mul3A_1 = arith.constant 200 : i32
    %mul3A_2 = arith.muli %add3A, %mul3A_1 : i32
    "tpu.region"() ({
      %run_scoped3A = tpu.sem_alloc : memref<!tpu.dma_semaphore, #tpu.memory_space<semaphore_mem>>
      %dma_start3A = arith.constant 0 : i32
      %dma_start3A_15 = tpu.memref_slice %arg2[%mul3A_2, %dma_start3A] : memref<6400x128xf32, #tpu.memory_space<hbm>> -> memref<200x128xf32, #tpu.memory_space<hbm>>
      %dma_start3A_16 = arith.constant 0 : i32
      %dma_start3A_17 = tpu.memref_slice %arg2[%mul3A_2, %dma_start3A_16] : memref<6400x128xf32, #tpu.memory_space<hbm>> -> memref<200x128xf32, #tpu.memory_space<hbm>>
      tpu.enqueue_dma source(%dma_start3A_17 : memref<200x128xf32, #tpu.memory_space<hbm>>) target(%arg6 : memref<200x128xf32, #tpu.memory_space<vmem>>) target_semaphore(%run_scoped3A : memref<!tpu.dma_semaphore, #tpu.memory_space<semaphore_mem>>)
      %dma_wait3A = arith.constant 0 : i32
      %dma_wait3A_18 = tpu.memref_slice %arg2[%mul3A_2, %dma_wait3A] : memref<6400x128xf32, #tpu.memory_space<hbm>> -> memref<200x128xf32, #tpu.memory_space<hbm>>
      %dma_wait3A_19 = arith.constant 0 : i32
      %dma_wait3A_20 = tpu.memref_slice %arg2[%mul3A_2, %dma_wait3A_19] : memref<6400x128xf32, #tpu.memory_space<hbm>> -> memref<200x128xf32, #tpu.memory_space<hbm>>
      tpu.wait_dma2 semaphore(%run_scoped3A : memref<!tpu.dma_semaphore, #tpu.memory_space<semaphore_mem>>) src(%dma_wait3A_20 : memref<200x128xf32, #tpu.memory_space<hbm>>) dst(%arg6 : memref<200x128xf32, #tpu.memory_space<vmem>>)
      tpu.yield
    }) : () -> ()
    %mul3A_3 = arith.constant 256 : i32
    %mul3A_4 = arith.muli %add3A, %mul3A_3 : i32
    "tpu.region"() ({
      %run_scoped3A = tpu.sem_alloc : memref<!tpu.dma_semaphore, #tpu.memory_space<semaphore_mem>>
      %dma_start3A = tpu.memref_slice %arg3[%mul3A_4] : memref<8192xi32, #tpu.memory_space<hbm>> -> memref<256xi32, #tpu.memory_space<hbm>>
      %dma_start3A_15 = tpu.memref_slice %arg3[%mul3A_4] : memref<8192xi32, #tpu.memory_space<hbm>> -> memref<256xi32, #tpu.memory_space<hbm>>
      tpu.enqueue_dma source(%dma_start3A_15 : memref<256xi32, #tpu.memory_space<hbm>>) target(%arg7 : memref<256xi32, #tpu.memory_space<vmem>>) target_semaphore(%run_scoped3A : memref<!tpu.dma_semaphore, #tpu.memory_space<semaphore_mem>>)
      %dma_wait3A = tpu.memref_slice %arg3[%mul3A_4] : memref<8192xi32, #tpu.memory_space<hbm>> -> memref<256xi32, #tpu.memory_space<hbm>>
      %dma_wait3A_16 = tpu.memref_slice %arg3[%mul3A_4] : memref<8192xi32, #tpu.memory_space<hbm>> -> memref<256xi32, #tpu.memory_space<hbm>>
      tpu.wait_dma2 semaphore(%run_scoped3A : memref<!tpu.dma_semaphore, #tpu.memory_space<semaphore_mem>>) src(%dma_wait3A_16 : memref<256xi32, #tpu.memory_space<hbm>>) dst(%arg7 : memref<256xi32, #tpu.memory_space<vmem>>)
      tpu.yield
    }) : () -> ()
    "tpu.region"() ({
      %run_scoped3A = tpu.sem_alloc : memref<!tpu.dma_semaphore, #tpu.memory_space<semaphore_mem>>
      tpu.enqueue_dma source(%arg4 : memref<100xf32, #tpu.memory_space<hbm>>) target(%arg8 : memref<100xf32, #tpu.memory_space<vmem>>) target_semaphore(%run_scoped3A : memref<!tpu.dma_semaphore, #tpu.memory_space<semaphore_mem>>)
      tpu.wait_dma2 semaphore(%run_scoped3A : memref<!tpu.dma_semaphore, #tpu.memory_space<semaphore_mem>>) src(%arg4 : memref<100xf32, #tpu.memory_space<hbm>>) dst(%arg8 : memref<100xf32, #tpu.memory_space<vmem>>)
      tpu.yield
    }) : () -> ()
    %iota3A = tpu.iota {dimensions = array<i32: 0>} : vector<16xi32>
    %broadcast_in_dim3A = arith.constant 0.000000e+00 : f32
    %broadcast_in_dim3A_5 = vector.broadcast %broadcast_in_dim3A : f32 to vector<16xf32>
    %scan3A = arith.constant 0 : i32
    %scan3A_6 = arith.constant 16 : i32
    %scan3A_7 = arith.addi %scan3A, %scan3A_6 : i32
    %scan3A_8 = arith.constant 1 : i32
    %scan3A_9 = scf.for %scan3A_15 = %scan3A to %scan3A_7 step %scan3A_8 iter_args(%scan3A_16 = %broadcast_in_dim3A_5) -> (vector<16xf32>)  : i32 {
      %mul3A_17 = arith.constant 16 : i32
      %mul3A_18 = arith.muli %scan3A_15, %mul3A_17 : i32
      %add3A_19 = vector.broadcast %mul3A_18 : i32 to vector<16xi32>
      %add3A_20 = arith.addi %add3A_19, %iota3A : vector<16xi32>
      %mul3A_21 = arith.constant 100 : i32
      %mul3A_22 = vector.broadcast %mul3A_21 : i32 to vector<16xi32>
      %mul3A_23 = arith.muli %add3A_20, %mul3A_22 : vector<16xi32>
      %gather3A = tpu.vector_load_idx %arg7[%add3A_20] : memref<256xi32, #tpu.memory_space<vmem>>[vector<16xi32>], vector<16xi32>,
      %gather3A_24 = tpu.vector_load_idx %arg8[%gather3A] : memref<100xf32, #tpu.memory_space<vmem>>[vector<16xi32>], vector<16xf32>,
      %add3A_25 = arith.addi %mul3A_23, %gather3A : vector<16xi32>
      %shift_right_arithmetic3A = arith.constant 7 : i32
      %shift_right_arithmetic3A_26 = vector.broadcast %shift_right_arithmetic3A : i32 to vector<16xi32>
      %shift_right_arithmetic3A_27 = arith.shrsi %add3A_25, %shift_right_arithmetic3A_26 : vector<16xi32>
      %and3A = arith.constant 127 : i32
      %and3A_28 = vector.broadcast %and3A : i32 to vector<16xi32>
      %and3A_29 = arith.andi %add3A_25, %and3A_28 : vector<16xi32>
      %gather3A_30 = tpu.vector_load_idx %arg6[%shift_right_arithmetic3A_27, %and3A_29] : memref<200x128xf32, #tpu.memory_space<vmem>>[vector<16xi32>, vector<16xi32>], vector<16xf32>,
      %broadcast_in_dim3A_31 = arith.constant 0xFF800000 : f32
      %broadcast_in_dim3A_32 = vector.broadcast %broadcast_in_dim3A_31 : f32 to vector<16xf32>
      %scan3A_33 = arith.constant 0 : i32
      %scan3A_34 = arith.constant 10 : i32
      %scan3A_35 = arith.addi %scan3A_33, %scan3A_34 : i32
      %scan3A_36 = arith.constant 1 : i32
      %scan3A_37:10 = scf.for %scan3A_120 = %scan3A_33 to %scan3A_35 step %scan3A_36 iter_args(%scan3A_121 = %broadcast_in_dim3A_32, %scan3A_122 = %broadcast_in_dim3A_32, %scan3A_123 = %broadcast_in_dim3A_32, %scan3A_124 = %broadcast_in_dim3A_32, %scan3A_125 = %broadcast_in_dim3A_32, %scan3A_126 = %broadcast_in_dim3A_32, %scan3A_127 = %broadcast_in_dim3A_32, %scan3A_128 = %broadcast_in_dim3A_32, %scan3A_129 = %broadcast_in_dim3A_32, %scan3A_130 = %broadcast_in_dim3A_32) -> (vector<16xf32>, vector<16xf32>, vector<16xf32>, vector<16xf32>, vector<16xf32>, vector<16xf32>, vector<16xf32>, vector<16xf32>, vector<16xf32>, vector<16xf32>)  : i32 {
        %mul3A_131 = arith.constant 10 : i32
        %mul3A_132 = arith.muli %scan3A_120, %mul3A_131 : i32
        %add3A_133 = arith.constant 0 : i32
        %add3A_134 = arith.addi %mul3A_132, %add3A_133 : i32
        %add3A_135 = vector.broadcast %add3A_134 : i32 to vector<16xi32>
        %add3A_136 = arith.addi %mul3A_23, %add3A_135 : vector<16xi32>
        %shift_right_arithmetic3A_137 = arith.constant 7 : i32
        %shift_right_arithmetic3A_138 = vector.broadcast %shift_right_arithmetic3A_137 : i32 to vector<16xi32>
        %shift_right_arithmetic3A_139 = arith.shrsi %add3A_136, %shift_right_arithmetic3A_138 : vector<16xi32>
        %and3A_140 = arith.constant 127 : i32
        %and3A_141 = vector.broadcast %and3A_140 : i32 to vector<16xi32>
        %and3A_142 = arith.andi %add3A_136, %and3A_141 : vector<16xi32>
        %gather3A_143 = tpu.vector_load_idx %arg6[%shift_right_arithmetic3A_139, %and3A_142] : memref<200x128xf32, #tpu.memory_space<vmem>>[vector<16xi32>, vector<16xi32>], vector<16xf32>,
        %max3A_144 = arith.maximumf %scan3A_121, %gather3A_143 : vector<16xf32>
        %add3A_145 = arith.constant 1 : i32
        %add3A_146 = arith.addi %mul3A_132, %add3A_145 : i32
        %add3A_147 = vector.broadcast %add3A_146 : i32 to vector<16xi32>
        %add3A_148 = arith.addi %mul3A_23, %add3A_147 : vector<16xi32>
        %shift_right_arithmetic3A_149 = arith.constant 7 : i32
        %shift_right_arithmetic3A_150 = vector.broadcast %shift_right_arithmetic3A_149 : i32 to vector<16xi32>
        %shift_right_arithmetic3A_151 = arith.shrsi %add3A_148, %shift_right_arithmetic3A_150 : vector<16xi32>
        %and3A_152 = arith.constant 127 : i32
        %and3A_153 = vector.broadcast %and3A_152 : i32 to vector<16xi32>
        %and3A_154 = arith.andi %add3A_148, %and3A_153 : vector<16xi32>
        %gather3A_155 = tpu.vector_load_idx %arg6[%shift_right_arithmetic3A_151, %and3A_154] : memref<200x128xf32, #tpu.memory_space<vmem>>[vector<16xi32>, vector<16xi32>], vector<16xf32>,
        %max3A_156 = arith.maximumf %scan3A_122, %gather3A_155 : vector<16xf32>
        %add3A_157 = arith.constant 2 : i32
        %add3A_158 = arith.addi %mul3A_132, %add3A_157 : i32
        %add3A_159 = vector.broadcast %add3A_158 : i32 to vector<16xi32>
        %add3A_160 = arith.addi %mul3A_23, %add3A_159 : vector<16xi32>
        %shift_right_arithmetic3A_161 = arith.constant 7 : i32
        %shift_right_arithmetic3A_162 = vector.broadcast %shift_right_arithmetic3A_161 : i32 to vector<16xi32>
        %shift_right_arithmetic3A_163 = arith.shrsi %add3A_160, %shift_right_arithmetic3A_162 : vector<16xi32>
        %and3A_164 = arith.constant 127 : i32
        %and3A_165 = vector.broadcast %and3A_164 : i32 to vector<16xi32>
        %and3A_166 = arith.andi %add3A_160, %and3A_165 : vector<16xi32>
        %gather3A_167 = tpu.vector_load_idx %arg6[%shift_right_arithmetic3A_163, %and3A_166] : memref<200x128xf32, #tpu.memory_space<vmem>>[vector<16xi32>, vector<16xi32>], vector<16xf32>,
        %max3A_168 = arith.maximumf %scan3A_123, %gather3A_167 : vector<16xf32>
        %add3A_169 = arith.constant 3 : i32
        %add3A_170 = arith.addi %mul3A_132, %add3A_169 : i32
        %add3A_171 = vector.broadcast %add3A_170 : i32 to vector<16xi32>
        %add3A_172 = arith.addi %mul3A_23, %add3A_171 : vector<16xi32>
        %shift_right_arithmetic3A_173 = arith.constant 7 : i32
        %shift_right_arithmetic3A_174 = vector.broadcast %shift_right_arithmetic3A_173 : i32 to vector<16xi32>
        %shift_right_arithmetic3A_175 = arith.shrsi %add3A_172, %shift_right_arithmetic3A_174 : vector<16xi32>
        %and3A_176 = arith.constant 127 : i32
        %and3A_177 = vector.broadcast %and3A_176 : i32 to vector<16xi32>
        %and3A_178 = arith.andi %add3A_172, %and3A_177 : vector<16xi32>
        %gather3A_179 = tpu.vector_load_idx %arg6[%shift_right_arithmetic3A_175, %and3A_178] : memref<200x128xf32, #tpu.memory_space<vmem>>[vector<16xi32>, vector<16xi32>], vector<16xf32>,
        %max3A_180 = arith.maximumf %scan3A_124, %gather3A_179 : vector<16xf32>
        %add3A_181 = arith.constant 4 : i32
        %add3A_182 = arith.addi %mul3A_132, %add3A_181 : i32
        %add3A_183 = vector.broadcast %add3A_182 : i32 to vector<16xi32>
        %add3A_184 = arith.addi %mul3A_23, %add3A_183 : vector<16xi32>
        %shift_right_arithmetic3A_185 = arith.constant 7 : i32
        %shift_right_arithmetic3A_186 = vector.broadcast %shift_right_arithmetic3A_185 : i32 to vector<16xi32>
        %shift_right_arithmetic3A_187 = arith.shrsi %add3A_184, %shift_right_arithmetic3A_186 : vector<16xi32>
        %and3A_188 = arith.constant 127 : i32
        %and3A_189 = vector.broadcast %and3A_188 : i32 to vector<16xi32>
        %and3A_190 = arith.andi %add3A_184, %and3A_189 : vector<16xi32>
        %gather3A_191 = tpu.vector_load_idx %arg6[%shift_right_arithmetic3A_187, %and3A_190] : memref<200x128xf32, #tpu.memory_space<vmem>>[vector<16xi32>, vector<16xi32>], vector<16xf32>,
        %max3A_192 = arith.maximumf %scan3A_125, %gather3A_191 : vector<16xf32>
        %add3A_193 = arith.constant 5 : i32
        %add3A_194 = arith.addi %mul3A_132, %add3A_193 : i32
        %add3A_195 = vector.broadcast %add3A_194 : i32 to vector<16xi32>
        %add3A_196 = arith.addi %mul3A_23, %add3A_195 : vector<16xi32>
        %shift_right_arithmetic3A_197 = arith.constant 7 : i32
        %shift_right_arithmetic3A_198 = vector.broadcast %shift_right_arithmetic3A_197 : i32 to vector<16xi32>
        %shift_right_arithmetic3A_199 = arith.shrsi %add3A_196, %shift_right_arithmetic3A_198 : vector<16xi32>
        %and3A_200 = arith.constant 127 : i32
        %and3A_201 = vector.broadcast %and3A_200 : i32 to vector<16xi32>
        %and3A_202 = arith.andi %add3A_196, %and3A_201 : vector<16xi32>
        %gather3A_203 = tpu.vector_load_idx %arg6[%shift_right_arithmetic3A_199, %and3A_202] : memref<200x128xf32, #tpu.memory_space<vmem>>[vector<16xi32>, vector<16xi32>], vector<16xf32>,
        %max3A_204 = arith.maximumf %scan3A_126, %gather3A_203 : vector<16xf32>
        %add3A_205 = arith.constant 6 : i32
        %add3A_206 = arith.addi %mul3A_132, %add3A_205 : i32
        %add3A_207 = vector.broadcast %add3A_206 : i32 to vector<16xi32>
        %add3A_208 = arith.addi %mul3A_23, %add3A_207 : vector<16xi32>
        %shift_right_arithmetic3A_209 = arith.constant 7 : i32
        %shift_right_arithmetic3A_210 = vector.broadcast %shift_right_arithmetic3A_209 : i32 to vector<16xi32>
        %shift_right_arithmetic3A_211 = arith.shrsi %add3A_208, %shift_right_arithmetic3A_210 : vector<16xi32>
        %and3A_212 = arith.constant 127 : i32
        %and3A_213 = vector.broadcast %and3A_212 : i32 to vector<16xi32>
        %and3A_214 = arith.andi %add3A_208, %and3A_213 : vector<16xi32>
        %gather3A_215 = tpu.vector_load_idx %arg6[%shift_right_arithmetic3A_211, %and3A_214] : memref<200x128xf32, #tpu.memory_space<vmem>>[vector<16xi32>, vector<16xi32>], vector<16xf32>,
        %max3A_216 = arith.maximumf %scan3A_127, %gather3A_215 : vector<16xf32>
        %add3A_217 = arith.constant 7 : i32
        %add3A_218 = arith.addi %mul3A_132, %add3A_217 : i32
        %add3A_219 = vector.broadcast %add3A_218 : i32 to vector<16xi32>
        %add3A_220 = arith.addi %mul3A_23, %add3A_219 : vector<16xi32>
        %shift_right_arithmetic3A_221 = arith.constant 7 : i32
        %shift_right_arithmetic3A_222 = vector.broadcast %shift_right_arithmetic3A_221 : i32 to vector<16xi32>
        %shift_right_arithmetic3A_223 = arith.shrsi %add3A_220, %shift_right_arithmetic3A_222 : vector<16xi32>
        %and3A_224 = arith.constant 127 : i32
        %and3A_225 = vector.broadcast %and3A_224 : i32 to vector<16xi32>
        %and3A_226 = arith.andi %add3A_220, %and3A_225 : vector<16xi32>
        %gather3A_227 = tpu.vector_load_idx %arg6[%shift_right_arithmetic3A_223, %and3A_226] : memref<200x128xf32, #tpu.memory_space<vmem>>[vector<16xi32>, vector<16xi32>], vector<16xf32>,
        %max3A_228 = arith.maximumf %scan3A_128, %gather3A_227 : vector<16xf32>
        %add3A_229 = arith.constant 8 : i32
        %add3A_230 = arith.addi %mul3A_132, %add3A_229 : i32
        %add3A_231 = vector.broadcast %add3A_230 : i32 to vector<16xi32>
        %add3A_232 = arith.addi %mul3A_23, %add3A_231 : vector<16xi32>
        %shift_right_arithmetic3A_233 = arith.constant 7 : i32
        %shift_right_arithmetic3A_234 = vector.broadcast %shift_right_arithmetic3A_233 : i32 to vector<16xi32>
        %shift_right_arithmetic3A_235 = arith.shrsi %add3A_232, %shift_right_arithmetic3A_234 : vector<16xi32>
        %and3A_236 = arith.constant 127 : i32
        %and3A_237 = vector.broadcast %and3A_236 : i32 to vector<16xi32>
        %and3A_238 = arith.andi %add3A_232, %and3A_237 : vector<16xi32>
        %gather3A_239 = tpu.vector_load_idx %arg6[%shift_right_arithmetic3A_235, %and3A_238] : memref<200x128xf32, #tpu.memory_space<vmem>>[vector<16xi32>, vector<16xi32>], vector<16xf32>,
        %max3A_240 = arith.maximumf %scan3A_129, %gather3A_239 : vector<16xf32>
        %add3A_241 = arith.constant 9 : i32
        %add3A_242 = arith.addi %mul3A_132, %add3A_241 : i32
        %add3A_243 = vector.broadcast %add3A_242 : i32 to vector<16xi32>
        %add3A_244 = arith.addi %mul3A_23, %add3A_243 : vector<16xi32>
        %shift_right_arithmetic3A_245 = arith.constant 7 : i32
        %shift_right_arithmetic3A_246 = vector.broadcast %shift_right_arithmetic3A_245 : i32 to vector<16xi32>
        %shift_right_arithmetic3A_247 = arith.shrsi %add3A_244, %shift_right_arithmetic3A_246 : vector<16xi32>
        %and3A_248 = arith.constant 127 : i32
        %and3A_249 = vector.broadcast %and3A_248 : i32 to vector<16xi32>
        %and3A_250 = arith.andi %add3A_244, %and3A_249 : vector<16xi32>
        %gather3A_251 = tpu.vector_load_idx %arg6[%shift_right_arithmetic3A_247, %and3A_250] : memref<200x128xf32, #tpu.memory_space<vmem>>[vector<16xi32>, vector<16xi32>], vector<16xf32>,
        %max3A_252 = arith.maximumf %scan3A_130, %gather3A_251 : vector<16xf32>
        scf.yield %max3A_144, %max3A_156, %max3A_168, %max3A_180, %max3A_192, %max3A_204, %max3A_216, %max3A_228, %max3A_240, %max3A_252 : vector<16xf32>, vector<16xf32>, vector<16xf32>, vector<16xf32>, vector<16xf32>, vector<16xf32>, vector<16xf32>, vector<16xf32>, vector<16xf32>, vector<16xf32>
      }
      %scan3A_38 = arith.constant 10 : i32
      %max3A = arith.maximumf %scan3A_37#0, %scan3A_37#1 : vector<16xf32>
      %max3A_39 = arith.maximumf %scan3A_37#2, %scan3A_37#3 : vector<16xf32>
      %max3A_40 = arith.maximumf %scan3A_37#4, %scan3A_37#5 : vector<16xf32>
      %max3A_41 = arith.maximumf %scan3A_37#6, %scan3A_37#7 : vector<16xf32>
      %max3A_42 = arith.maximumf %scan3A_37#8, %scan3A_37#9 : vector<16xf32>
      %max3A_43 = arith.maximumf %max3A, %max3A_39 : vector<16xf32>
      %max3A_44 = arith.maximumf %max3A_40, %max3A_41 : vector<16xf32>
      %max3A_45 = arith.maximumf %max3A_43, %max3A_44 : vector<16xf32>
      %max3A_46 = arith.maximumf %max3A_45, %max3A_42 : vector<16xf32>
      %broadcast_in_dim3A_47 = arith.constant 0.000000e+00 : f32
      %broadcast_in_dim3A_48 = vector.broadcast %broadcast_in_dim3A_47 : f32 to vector<16xf32>
      %scan3A_49 = arith.constant 0 : i32
      %scan3A_50 = arith.constant 10 : i32
      %scan3A_51 = arith.addi %scan3A_49, %scan3A_50 : i32
      %scan3A_52 = arith.constant 1 : i32
      %scan3A_53:10 = scf.for %scan3A_120 = %scan3A_49 to %scan3A_51 step %scan3A_52 iter_args(%scan3A_121 = %broadcast_in_dim3A_48, %scan3A_122 = %broadcast_in_dim3A_48, %scan3A_123 = %broadcast_in_dim3A_48, %scan3A_124 = %broadcast_in_dim3A_48, %scan3A_125 = %broadcast_in_dim3A_48, %scan3A_126 = %broadcast_in_dim3A_48, %scan3A_127 = %broadcast_in_dim3A_48, %scan3A_128 = %broadcast_in_dim3A_48, %scan3A_129 = %broadcast_in_dim3A_48, %scan3A_130 = %broadcast_in_dim3A_48) -> (vector<16xf32>, vector<16xf32>, vector<16xf32>, vector<16xf32>, vector<16xf32>, vector<16xf32>, vector<16xf32>, vector<16xf32>, vector<16xf32>, vector<16xf32>)  : i32 {
        %mul3A_131 = arith.constant 10 : i32
        %mul3A_132 = arith.muli %scan3A_120, %mul3A_131 : i32
        %add3A_133 = arith.constant 0 : i32
        %add3A_134 = arith.addi %mul3A_132, %add3A_133 : i32
        %add3A_135 = vector.broadcast %add3A_134 : i32 to vector<16xi32>
        %add3A_136 = arith.addi %mul3A_23, %add3A_135 : vector<16xi32>
        %shift_right_arithmetic3A_137 = arith.constant 7 : i32
        %shift_right_arithmetic3A_138 = vector.broadcast %shift_right_arithmetic3A_137 : i32 to vector<16xi32>
        %shift_right_arithmetic3A_139 = arith.shrsi %add3A_136, %shift_right_arithmetic3A_138 : vector<16xi32>
        %and3A_140 = arith.constant 127 : i32
        %and3A_141 = vector.broadcast %and3A_140 : i32 to vector<16xi32>
        %and3A_142 = arith.andi %add3A_136, %and3A_141 : vector<16xi32>
        %gather3A_143 = tpu.vector_load_idx %arg6[%shift_right_arithmetic3A_139, %and3A_142] : memref<200x128xf32, #tpu.memory_space<vmem>>[vector<16xi32>, vector<16xi32>], vector<16xf32>,
        %add3A_144 = arith.constant 0 : i32
        %add3A_145 = arith.addi %mul3A_132, %add3A_144 : i32
        %eq3A = vector.broadcast %add3A_145 : i32 to vector<16xi32>
        %eq3A_146 = arith.cmpi eq, %gather3A, %eq3A : vector<16xi32>
        %jit3A = arith.constant 0.000000e+00 : f32
        %broadcast_in_dim3A_147 = vector.broadcast %jit3A : f32 to vector<16xf32>
        %select_n3A_148 = arith.select %eq3A_146, %gather3A_24, %broadcast_in_dim3A_147 : vector<16xi1>, vector<16xf32>
        %sub3A_149 = arith.subf %gather3A_143, %select_n3A_148 : vector<16xf32>
        %sub3A_150 = arith.subf %sub3A_149, %max3A_46 : vector<16xf32>
        %mul3A_151 = arith.constant 3.000000e+01 : f32
        %mul3A_152 = vector.broadcast %mul3A_151 : f32 to vector<16xf32>
        %mul3A_153 = arith.mulf %sub3A_150, %mul3A_152 : vector<16xf32>
        %exp3A = math.exp %mul3A_153 : vector<16xf32>
        %add3A_154 = arith.addf %scan3A_121, %exp3A : vector<16xf32>
        %add3A_155 = arith.constant 1 : i32
        %add3A_156 = arith.addi %mul3A_132, %add3A_155 : i32
        %add3A_157 = vector.broadcast %add3A_156 : i32 to vector<16xi32>
        %add3A_158 = arith.addi %mul3A_23, %add3A_157 : vector<16xi32>
        %shift_right_arithmetic3A_159 = arith.constant 7 : i32
        %shift_right_arithmetic3A_160 = vector.broadcast %shift_right_arithmetic3A_159 : i32 to vector<16xi32>
        %shift_right_arithmetic3A_161 = arith.shrsi %add3A_158, %shift_right_arithmetic3A_160 : vector<16xi32>
        %and3A_162 = arith.constant 127 : i32
        %and3A_163 = vector.broadcast %and3A_162 : i32 to vector<16xi32>
        %and3A_164 = arith.andi %add3A_158, %and3A_163 : vector<16xi32>
        %gather3A_165 = tpu.vector_load_idx %arg6[%shift_right_arithmetic3A_161, %and3A_164] : memref<200x128xf32, #tpu.memory_space<vmem>>[vector<16xi32>, vector<16xi32>], vector<16xf32>,
        %add3A_166 = arith.constant 1 : i32
        %add3A_167 = arith.addi %mul3A_132, %add3A_166 : i32
        %eq3A_168 = vector.broadcast %add3A_167 : i32 to vector<16xi32>
        %eq3A_169 = arith.cmpi eq, %gather3A, %eq3A_168 : vector<16xi32>
        %jit3A_170 = arith.constant 0.000000e+00 : f32
        %broadcast_in_dim3A_171 = vector.broadcast %jit3A_170 : f32 to vector<16xf32>
        %select_n3A_172 = arith.select %eq3A_169, %gather3A_24, %broadcast_in_dim3A_171 : vector<16xi1>, vector<16xf32>
        %sub3A_173 = arith.subf %gather3A_165, %select_n3A_172 : vector<16xf32>
        %sub3A_174 = arith.subf %sub3A_173, %max3A_46 : vector<16xf32>
        %mul3A_175 = arith.constant 3.000000e+01 : f32
        %mul3A_176 = vector.broadcast %mul3A_175 : f32 to vector<16xf32>
        %mul3A_177 = arith.mulf %sub3A_174, %mul3A_176 : vector<16xf32>
        %exp3A_178 = math.exp %mul3A_177 : vector<16xf32>
        %add3A_179 = arith.addf %scan3A_122, %exp3A_178 : vector<16xf32>
        %add3A_180 = arith.constant 2 : i32
        %add3A_181 = arith.addi %mul3A_132, %add3A_180 : i32
        %add3A_182 = vector.broadcast %add3A_181 : i32 to vector<16xi32>
        %add3A_183 = arith.addi %mul3A_23, %add3A_182 : vector<16xi32>
        %shift_right_arithmetic3A_184 = arith.constant 7 : i32
        %shift_right_arithmetic3A_185 = vector.broadcast %shift_right_arithmetic3A_184 : i32 to vector<16xi32>
        %shift_right_arithmetic3A_186 = arith.shrsi %add3A_183, %shift_right_arithmetic3A_185 : vector<16xi32>
        %and3A_187 = arith.constant 127 : i32
        %and3A_188 = vector.broadcast %and3A_187 : i32 to vector<16xi32>
        %and3A_189 = arith.andi %add3A_183, %and3A_188 : vector<16xi32>
        %gather3A_190 = tpu.vector_load_idx %arg6[%shift_right_arithmetic3A_186, %and3A_189] : memref<200x128xf32, #tpu.memory_space<vmem>>[vector<16xi32>, vector<16xi32>], vector<16xf32>,
        %add3A_191 = arith.constant 2 : i32
        %add3A_192 = arith.addi %mul3A_132, %add3A_191 : i32
        %eq3A_193 = vector.broadcast %add3A_192 : i32 to vector<16xi32>
        %eq3A_194 = arith.cmpi eq, %gather3A, %eq3A_193 : vector<16xi32>
        %jit3A_195 = arith.constant 0.000000e+00 : f32
        %broadcast_in_dim3A_196 = vector.broadcast %jit3A_195 : f32 to vector<16xf32>
        %select_n3A_197 = arith.select %eq3A_194, %gather3A_24, %broadcast_in_dim3A_196 : vector<16xi1>, vector<16xf32>
        %sub3A_198 = arith.subf %gather3A_190, %select_n3A_197 : vector<16xf32>
        %sub3A_199 = arith.subf %sub3A_198, %max3A_46 : vector<16xf32>
        %mul3A_200 = arith.constant 3.000000e+01 : f32
        %mul3A_201 = vector.broadcast %mul3A_200 : f32 to vector<16xf32>
        %mul3A_202 = arith.mulf %sub3A_199, %mul3A_201 : vector<16xf32>
        %exp3A_203 = math.exp %mul3A_202 : vector<16xf32>
        %add3A_204 = arith.addf %scan3A_123, %exp3A_203 : vector<16xf32>
        %add3A_205 = arith.constant 3 : i32
        %add3A_206 = arith.addi %mul3A_132, %add3A_205 : i32
        %add3A_207 = vector.broadcast %add3A_206 : i32 to vector<16xi32>
        %add3A_208 = arith.addi %mul3A_23, %add3A_207 : vector<16xi32>
        %shift_right_arithmetic3A_209 = arith.constant 7 : i32
        %shift_right_arithmetic3A_210 = vector.broadcast %shift_right_arithmetic3A_209 : i32 to vector<16xi32>
        %shift_right_arithmetic3A_211 = arith.shrsi %add3A_208, %shift_right_arithmetic3A_210 : vector<16xi32>
        %and3A_212 = arith.constant 127 : i32
        %and3A_213 = vector.broadcast %and3A_212 : i32 to vector<16xi32>
        %and3A_214 = arith.andi %add3A_208, %and3A_213 : vector<16xi32>
        %gather3A_215 = tpu.vector_load_idx %arg6[%shift_right_arithmetic3A_211, %and3A_214] : memref<200x128xf32, #tpu.memory_space<vmem>>[vector<16xi32>, vector<16xi32>], vector<16xf32>,
        %add3A_216 = arith.constant 3 : i32
        %add3A_217 = arith.addi %mul3A_132, %add3A_216 : i32
        %eq3A_218 = vector.broadcast %add3A_217 : i32 to vector<16xi32>
        %eq3A_219 = arith.cmpi eq, %gather3A, %eq3A_218 : vector<16xi32>
        %jit3A_220 = arith.constant 0.000000e+00 : f32
        %broadcast_in_dim3A_221 = vector.broadcast %jit3A_220 : f32 to vector<16xf32>
        %select_n3A_222 = arith.select %eq3A_219, %gather3A_24, %broadcast_in_dim3A_221 : vector<16xi1>, vector<16xf32>
        %sub3A_223 = arith.subf %gather3A_215, %select_n3A_222 : vector<16xf32>
        %sub3A_224 = arith.subf %sub3A_223, %max3A_46 : vector<16xf32>
        %mul3A_225 = arith.constant 3.000000e+01 : f32
        %mul3A_226 = vector.broadcast %mul3A_225 : f32 to vector<16xf32>
        %mul3A_227 = arith.mulf %sub3A_224, %mul3A_226 : vector<16xf32>
        %exp3A_228 = math.exp %mul3A_227 : vector<16xf32>
        %add3A_229 = arith.addf %scan3A_124, %exp3A_228 : vector<16xf32>
        %add3A_230 = arith.constant 4 : i32
        %add3A_231 = arith.addi %mul3A_132, %add3A_230 : i32
        %add3A_232 = vector.broadcast %add3A_231 : i32 to vector<16xi32>
        %add3A_233 = arith.addi %mul3A_23, %add3A_232 : vector<16xi32>
        %shift_right_arithmetic3A_234 = arith.constant 7 : i32
        %shift_right_arithmetic3A_235 = vector.broadcast %shift_right_arithmetic3A_234 : i32 to vector<16xi32>
        %shift_right_arithmetic3A_236 = arith.shrsi %add3A_233, %shift_right_arithmetic3A_235 : vector<16xi32>
        %and3A_237 = arith.constant 127 : i32
        %and3A_238 = vector.broadcast %and3A_237 : i32 to vector<16xi32>
        %and3A_239 = arith.andi %add3A_233, %and3A_238 : vector<16xi32>
        %gather3A_240 = tpu.vector_load_idx %arg6[%shift_right_arithmetic3A_236, %and3A_239] : memref<200x128xf32, #tpu.memory_space<vmem>>[vector<16xi32>, vector<16xi32>], vector<16xf32>,
        %add3A_241 = arith.constant 4 : i32
        %add3A_242 = arith.addi %mul3A_132, %add3A_241 : i32
        %eq3A_243 = vector.broadcast %add3A_242 : i32 to vector<16xi32>
        %eq3A_244 = arith.cmpi eq, %gather3A, %eq3A_243 : vector<16xi32>
        %jit3A_245 = arith.constant 0.000000e+00 : f32
        %broadcast_in_dim3A_246 = vector.broadcast %jit3A_245 : f32 to vector<16xf32>
        %select_n3A_247 = arith.select %eq3A_244, %gather3A_24, %broadcast_in_dim3A_246 : vector<16xi1>, vector<16xf32>
        %sub3A_248 = arith.subf %gather3A_240, %select_n3A_247 : vector<16xf32>
        %sub3A_249 = arith.subf %sub3A_248, %max3A_46 : vector<16xf32>
        %mul3A_250 = arith.constant 3.000000e+01 : f32
        %mul3A_251 = vector.broadcast %mul3A_250 : f32 to vector<16xf32>
        %mul3A_252 = arith.mulf %sub3A_249, %mul3A_251 : vector<16xf32>
        %exp3A_253 = math.exp %mul3A_252 : vector<16xf32>
        %add3A_254 = arith.addf %scan3A_125, %exp3A_253 : vector<16xf32>
        %add3A_255 = arith.constant 5 : i32
        %add3A_256 = arith.addi %mul3A_132, %add3A_255 : i32
        %add3A_257 = vector.broadcast %add3A_256 : i32 to vector<16xi32>
        %add3A_258 = arith.addi %mul3A_23, %add3A_257 : vector<16xi32>
        %shift_right_arithmetic3A_259 = arith.constant 7 : i32
        %shift_right_arithmetic3A_260 = vector.broadcast %shift_right_arithmetic3A_259 : i32 to vector<16xi32>
        %shift_right_arithmetic3A_261 = arith.shrsi %add3A_258, %shift_right_arithmetic3A_260 : vector<16xi32>
        %and3A_262 = arith.constant 127 : i32
        %and3A_263 = vector.broadcast %and3A_262 : i32 to vector<16xi32>
        %and3A_264 = arith.andi %add3A_258, %and3A_263 : vector<16xi32>
        %gather3A_265 = tpu.vector_load_idx %arg6[%shift_right_arithmetic3A_261, %and3A_264] : memref<200x128xf32, #tpu.memory_space<vmem>>[vector<16xi32>, vector<16xi32>], vector<16xf32>,
        %add3A_266 = arith.constant 5 : i32
        %add3A_267 = arith.addi %mul3A_132, %add3A_266 : i32
        %eq3A_268 = vector.broadcast %add3A_267 : i32 to vector<16xi32>
        %eq3A_269 = arith.cmpi eq, %gather3A, %eq3A_268 : vector<16xi32>
        %jit3A_270 = arith.constant 0.000000e+00 : f32
        %broadcast_in_dim3A_271 = vector.broadcast %jit3A_270 : f32 to vector<16xf32>
        %select_n3A_272 = arith.select %eq3A_269, %gather3A_24, %broadcast_in_dim3A_271 : vector<16xi1>, vector<16xf32>
        %sub3A_273 = arith.subf %gather3A_265, %select_n3A_272 : vector<16xf32>
        %sub3A_274 = arith.subf %sub3A_273, %max3A_46 : vector<16xf32>
        %mul3A_275 = arith.constant 3.000000e+01 : f32
        %mul3A_276 = vector.broadcast %mul3A_275 : f32 to vector<16xf32>
        %mul3A_277 = arith.mulf %sub3A_274, %mul3A_276 : vector<16xf32>
        %exp3A_278 = math.exp %mul3A_277 : vector<16xf32>
        %add3A_279 = arith.addf %scan3A_126, %exp3A_278 : vector<16xf32>
        %add3A_280 = arith.constant 6 : i32
        %add3A_281 = arith.addi %mul3A_132, %add3A_280 : i32
        %add3A_282 = vector.broadcast %add3A_281 : i32 to vector<16xi32>
        %add3A_283 = arith.addi %mul3A_23, %add3A_282 : vector<16xi32>
        %shift_right_arithmetic3A_284 = arith.constant 7 : i32
        %shift_right_arithmetic3A_285 = vector.broadcast %shift_right_arithmetic3A_284 : i32 to vector<16xi32>
        %shift_right_arithmetic3A_286 = arith.shrsi %add3A_283, %shift_right_arithmetic3A_285 : vector<16xi32>
        %and3A_287 = arith.constant 127 : i32
        %and3A_288 = vector.broadcast %and3A_287 : i32 to vector<16xi32>
        %and3A_289 = arith.andi %add3A_283, %and3A_288 : vector<16xi32>
        %gather3A_290 = tpu.vector_load_idx %arg6[%shift_right_arithmetic3A_286, %and3A_289] : memref<200x128xf32, #tpu.memory_space<vmem>>[vector<16xi32>, vector<16xi32>], vector<16xf32>,
        %add3A_291 = arith.constant 6 : i32
        %add3A_292 = arith.addi %mul3A_132, %add3A_291 : i32
        %eq3A_293 = vector.broadcast %add3A_292 : i32 to vector<16xi32>
        %eq3A_294 = arith.cmpi eq, %gather3A, %eq3A_293 : vector<16xi32>
        %jit3A_295 = arith.constant 0.000000e+00 : f32
        %broadcast_in_dim3A_296 = vector.broadcast %jit3A_295 : f32 to vector<16xf32>
        %select_n3A_297 = arith.select %eq3A_294, %gather3A_24, %broadcast_in_dim3A_296 : vector<16xi1>, vector<16xf32>
        %sub3A_298 = arith.subf %gather3A_290, %select_n3A_297 : vector<16xf32>
        %sub3A_299 = arith.subf %sub3A_298, %max3A_46 : vector<16xf32>
        %mul3A_300 = arith.constant 3.000000e+01 : f32
        %mul3A_301 = vector.broadcast %mul3A_300 : f32 to vector<16xf32>
        %mul3A_302 = arith.mulf %sub3A_299, %mul3A_301 : vector<16xf32>
        %exp3A_303 = math.exp %mul3A_302 : vector<16xf32>
        %add3A_304 = arith.addf %scan3A_127, %exp3A_303 : vector<16xf32>
        %add3A_305 = arith.constant 7 : i32
        %add3A_306 = arith.addi %mul3A_132, %add3A_305 : i32
        %add3A_307 = vector.broadcast %add3A_306 : i32 to vector<16xi32>
        %add3A_308 = arith.addi %mul3A_23, %add3A_307 : vector<16xi32>
        %shift_right_arithmetic3A_309 = arith.constant 7 : i32
        %shift_right_arithmetic3A_310 = vector.broadcast %shift_right_arithmetic3A_309 : i32 to vector<16xi32>
        %shift_right_arithmetic3A_311 = arith.shrsi %add3A_308, %shift_right_arithmetic3A_310 : vector<16xi32>
        %and3A_312 = arith.constant 127 : i32
        %and3A_313 = vector.broadcast %and3A_312 : i32 to vector<16xi32>
        %and3A_314 = arith.andi %add3A_308, %and3A_313 : vector<16xi32>
        %gather3A_315 = tpu.vector_load_idx %arg6[%shift_right_arithmetic3A_311, %and3A_314] : memref<200x128xf32, #tpu.memory_space<vmem>>[vector<16xi32>, vector<16xi32>], vector<16xf32>,
        %add3A_316 = arith.constant 7 : i32
        %add3A_317 = arith.addi %mul3A_132, %add3A_316 : i32
        %eq3A_318 = vector.broadcast %add3A_317 : i32 to vector<16xi32>
        %eq3A_319 = arith.cmpi eq, %gather3A, %eq3A_318 : vector<16xi32>
        %jit3A_320 = arith.constant 0.000000e+00 : f32
        %broadcast_in_dim3A_321 = vector.broadcast %jit3A_320 : f32 to vector<16xf32>
        %select_n3A_322 = arith.select %eq3A_319, %gather3A_24, %broadcast_in_dim3A_321 : vector<16xi1>, vector<16xf32>
        %sub3A_323 = arith.subf %gather3A_315, %select_n3A_322 : vector<16xf32>
        %sub3A_324 = arith.subf %sub3A_323, %max3A_46 : vector<16xf32>
        %mul3A_325 = arith.constant 3.000000e+01 : f32
        %mul3A_326 = vector.broadcast %mul3A_325 : f32 to vector<16xf32>
        %mul3A_327 = arith.mulf %sub3A_324, %mul3A_326 : vector<16xf32>
        %exp3A_328 = math.exp %mul3A_327 : vector<16xf32>
        %add3A_329 = arith.addf %scan3A_128, %exp3A_328 : vector<16xf32>
        %add3A_330 = arith.constant 8 : i32
        %add3A_331 = arith.addi %mul3A_132, %add3A_330 : i32
        %add3A_332 = vector.broadcast %add3A_331 : i32 to vector<16xi32>
        %add3A_333 = arith.addi %mul3A_23, %add3A_332 : vector<16xi32>
        %shift_right_arithmetic3A_334 = arith.constant 7 : i32
        %shift_right_arithmetic3A_335 = vector.broadcast %shift_right_arithmetic3A_334 : i32 to vector<16xi32>
        %shift_right_arithmetic3A_336 = arith.shrsi %add3A_333, %shift_right_arithmetic3A_335 : vector<16xi32>
        %and3A_337 = arith.constant 127 : i32
        %and3A_338 = vector.broadcast %and3A_337 : i32 to vector<16xi32>
        %and3A_339 = arith.andi %add3A_333, %and3A_338 : vector<16xi32>
        %gather3A_340 = tpu.vector_load_idx %arg6[%shift_right_arithmetic3A_336, %and3A_339] : memref<200x128xf32, #tpu.memory_space<vmem>>[vector<16xi32>, vector<16xi32>], vector<16xf32>,
        %add3A_341 = arith.constant 8 : i32
        %add3A_342 = arith.addi %mul3A_132, %add3A_341 : i32
        %eq3A_343 = vector.broadcast %add3A_342 : i32 to vector<16xi32>
        %eq3A_344 = arith.cmpi eq, %gather3A, %eq3A_343 : vector<16xi32>
        %jit3A_345 = arith.constant 0.000000e+00 : f32
        %broadcast_in_dim3A_346 = vector.broadcast %jit3A_345 : f32 to vector<16xf32>
        %select_n3A_347 = arith.select %eq3A_344, %gather3A_24, %broadcast_in_dim3A_346 : vector<16xi1>, vector<16xf32>
        %sub3A_348 = arith.subf %gather3A_340, %select_n3A_347 : vector<16xf32>
        %sub3A_349 = arith.subf %sub3A_348, %max3A_46 : vector<16xf32>
        %mul3A_350 = arith.constant 3.000000e+01 : f32
        %mul3A_351 = vector.broadcast %mul3A_350 : f32 to vector<16xf32>
        %mul3A_352 = arith.mulf %sub3A_349, %mul3A_351 : vector<16xf32>
        %exp3A_353 = math.exp %mul3A_352 : vector<16xf32>
        %add3A_354 = arith.addf %scan3A_129, %exp3A_353 : vector<16xf32>
        %add3A_355 = arith.constant 9 : i32
        %add3A_356 = arith.addi %mul3A_132, %add3A_355 : i32
        %add3A_357 = vector.broadcast %add3A_356 : i32 to vector<16xi32>
        %add3A_358 = arith.addi %mul3A_23, %add3A_357 : vector<16xi32>
        %shift_right_arithmetic3A_359 = arith.constant 7 : i32
        %shift_right_arithmetic3A_360 = vector.broadcast %shift_right_arithmetic3A_359 : i32 to vector<16xi32>
        %shift_right_arithmetic3A_361 = arith.shrsi %add3A_358, %shift_right_arithmetic3A_360 : vector<16xi32>
        %and3A_362 = arith.constant 127 : i32
        %and3A_363 = vector.broadcast %and3A_362 : i32 to vector<16xi32>
        %and3A_364 = arith.andi %add3A_358, %and3A_363 : vector<16xi32>
        %gather3A_365 = tpu.vector_load_idx %arg6[%shift_right_arithmetic3A_361, %and3A_364] : memref<200x128xf32, #tpu.memory_space<vmem>>[vector<16xi32>, vector<16xi32>], vector<16xf32>,
        %add3A_366 = arith.constant 9 : i32
        %add3A_367 = arith.addi %mul3A_132, %add3A_366 : i32
        %eq3A_368 = vector.broadcast %add3A_367 : i32 to vector<16xi32>
        %eq3A_369 = arith.cmpi eq, %gather3A, %eq3A_368 : vector<16xi32>
        %jit3A_370 = arith.constant 0.000000e+00 : f32
        %broadcast_in_dim3A_371 = vector.broadcast %jit3A_370 : f32 to vector<16xf32>
        %select_n3A_372 = arith.select %eq3A_369, %gather3A_24, %broadcast_in_dim3A_371 : vector<16xi1>, vector<16xf32>
        %sub3A_373 = arith.subf %gather3A_365, %select_n3A_372 : vector<16xf32>
        %sub3A_374 = arith.subf %sub3A_373, %max3A_46 : vector<16xf32>
        %mul3A_375 = arith.constant 3.000000e+01 : f32
        %mul3A_376 = vector.broadcast %mul3A_375 : f32 to vector<16xf32>
        %mul3A_377 = arith.mulf %sub3A_374, %mul3A_376 : vector<16xf32>
        %exp3A_378 = math.exp %mul3A_377 : vector<16xf32>
        %add3A_379 = arith.addf %scan3A_130, %exp3A_378 : vector<16xf32>
        scf.yield %add3A_154, %add3A_179, %add3A_204, %add3A_229, %add3A_254, %add3A_279, %add3A_304, %add3A_329, %add3A_354, %add3A_379 : vector<16xf32>, vector<16xf32>, vector<16xf32>, vector<16xf32>, vector<16xf32>, vector<16xf32>, vector<16xf32>, vector<16xf32>, vector<16xf32>, vector<16xf32>
      }
      %scan3A_54 = arith.constant 10 : i32
      %add3A_55 = arith.addf %scan3A_53#0, %scan3A_53#1 : vector<16xf32>
      %add3A_56 = arith.addf %scan3A_53#2, %scan3A_53#3 : vector<16xf32>
      %add3A_57 = arith.addf %scan3A_53#4, %scan3A_53#5 : vector<16xf32>
      %add3A_58 = arith.addf %scan3A_53#6, %scan3A_53#7 : vector<16xf32>
      %add3A_59 = arith.addf %scan3A_53#8, %scan3A_53#9 : vector<16xf32>
      %add3A_60 = arith.addf %add3A_55, %add3A_56 : vector<16xf32>
      %add3A_61 = arith.addf %add3A_57, %add3A_58 : vector<16xf32>
      %add3A_62 = arith.addf %add3A_60, %add3A_61 : vector<16xf32>
      %add3A_63 = arith.addf %add3A_62, %add3A_59 : vector<16xf32>
      %sub3A = arith.subf %max3A_46, %gather3A_30 : vector<16xf32>
      %add3A_64 = arith.addf %sub3A, %gather3A_24 : vector<16xf32>
      %mul3A_65 = arith.constant 3.000000e+01 : f32
      %mul3A_66 = vector.broadcast %mul3A_65 : f32 to vector<16xf32>
      %mul3A_67 = arith.mulf %mul3A_66, %add3A_64 : vector<16xf32>
      %bitcast_convert_type3A = tpu.bitcast %add3A_63 : vector<16xf32> -> vector<16xi32>
      %shift_right_arithmetic3A_68 = arith.constant 23 : i32
      %shift_right_arithmetic3A_69 = vector.broadcast %shift_right_arithmetic3A_68 : i32 to vector<16xi32>
      %shift_right_arithmetic3A_70 = arith.shrsi %bitcast_convert_type3A, %shift_right_arithmetic3A_69 : vector<16xi32>
      %sub3A_71 = arith.constant 127 : i32
      %sub3A_72 = vector.broadcast %sub3A_71 : i32 to vector<16xi32>
      %sub3A_73 = arith.subi %shift_right_arithmetic3A_70, %sub3A_72 : vector<16xi32>
      %and3A_74 = arith.constant 8388607 : i32
      %and3A_75 = vector.broadcast %and3A_74 : i32 to vector<16xi32>
      %and3A_76 = arith.andi %bitcast_convert_type3A, %and3A_75 : vector<16xi32>
      %or3A = arith.constant 1065353216 : i32
      %or3A_77 = vector.broadcast %or3A : i32 to vector<16xi32>
      %or3A_78 = arith.ori %and3A_76, %or3A_77 : vector<16xi32>
      %bitcast_convert_type3A_79 = tpu.bitcast %or3A_78 : vector<16xi32> -> vector<16xf32>
      %gt3A = arith.constant 1.41421354 : f32
      %gt3A_80 = vector.broadcast %gt3A : f32 to vector<16xf32>
      %gt3A_81 = arith.cmpf ogt, %bitcast_convert_type3A_79, %gt3A_80 : vector<16xf32>
      %mul3A_82 = arith.constant 5.000000e-01 : f32
      %mul3A_83 = vector.broadcast %mul3A_82 : f32 to vector<16xf32>
      %mul3A_84 = arith.mulf %bitcast_convert_type3A_79, %mul3A_83 : vector<16xf32>
      %select_n3A = arith.select %gt3A_81, %mul3A_84, %bitcast_convert_type3A_79 : vector<16xi1>, vector<16xf32>
      %add3A_85 = arith.constant 1 : i32
      %add3A_86 = vector.broadcast %add3A_85 : i32 to vector<16xi32>
      %add3A_87 = arith.addi %sub3A_73, %add3A_86 : vector<16xi32>
      %select_n3A_88 = arith.select %gt3A_81, %add3A_87, %sub3A_73 : vector<16xi1>, vector<16xi32>
      %sub3A_89 = arith.constant 1.000000e+00 : f32
      %sub3A_90 = vector.broadcast %sub3A_89 : f32 to vector<16xf32>
      %sub3A_91 = arith.subf %select_n3A, %sub3A_90 : vector<16xf32>
      %add3A_92 = arith.constant 1.000000e+00 : f32
      %add3A_93 = vector.broadcast %add3A_92 : f32 to vector<16xf32>
      %add3A_94 = arith.addf %select_n3A, %add3A_93 : vector<16xf32>
      %div3A = arith.divf %sub3A_91, %add3A_94 : vector<16xf32>
      %mul3A_95 = arith.mulf %div3A, %div3A : vector<16xf32>
      %mul3A_96 = arith.constant 2.000000e+00 : f32
      %mul3A_97 = vector.broadcast %mul3A_96 : f32 to vector<16xf32>
      %mul3A_98 = arith.mulf %mul3A_97, %div3A : vector<16xf32>
      %mul3A_99 = arith.constant 0.142857149 : f32
      %mul3A_100 = vector.broadcast %mul3A_99 : f32 to vector<16xf32>
      %mul3A_101 = arith.mulf %mul3A_95, %mul3A_100 : vector<16xf32>
      %add3A_102 = arith.constant 2.000000e-01 : f32
      %add3A_103 = vector.broadcast %add3A_102 : f32 to vector<16xf32>
      %add3A_104 = arith.addf %add3A_103, %mul3A_101 : vector<16xf32>
      %mul3A_105 = arith.mulf %mul3A_95, %add3A_104 : vector<16xf32>
      %add3A_106 = arith.constant 0.333333343 : f32
      %add3A_107 = vector.broadcast %add3A_106 : f32 to vector<16xf32>
      %add3A_108 = arith.addf %add3A_107, %mul3A_105 : vector<16xf32>
      %mul3A_109 = arith.mulf %mul3A_95, %add3A_108 : vector<16xf32>
      %add3A_110 = arith.constant 1.000000e+00 : f32
      %add3A_111 = vector.broadcast %add3A_110 : f32 to vector<16xf32>
      %add3A_112 = arith.addf %add3A_111, %mul3A_109 : vector<16xf32>
      %mul3A_113 = arith.mulf %mul3A_98, %add3A_112 : vector<16xf32>
      %convert_element_type3A = arith.sitofp %select_n3A_88 : vector<16xi32> to vector<16xf32>
      %mul3A_114 = arith.constant 0.693147182 : f32
      %mul3A_115 = vector.broadcast %mul3A_114 : f32 to vector<16xf32>
      %mul3A_116 = arith.mulf %convert_element_type3A, %mul3A_115 : vector<16xf32>
      %add3A_117 = arith.addf %mul3A_116, %mul3A_113 : vector<16xf32>
      %add3A_118 = arith.addf %mul3A_67, %add3A_117 : vector<16xf32>
      %add3A_119 = arith.addf %scan3A_16, %add3A_118 : vector<16xf32>
      scf.yield %add3A_119 : vector<16xf32>
    }
    %scan3A_10 = arith.constant 16 : i32
    %mul3A_11 = arith.constant 6.10351563E-5 : f32
    %mul3A_12 = vector.broadcast %mul3A_11 : f32 to vector<16xf32>
    %mul3A_13 = arith.mulf %scan3A_9, %mul3A_12 : vector<16xf32>
    %swap3A = arith.constant 0 : index
    %swap3A_14 = tpu.vector_load %arg9[%swap3A] {strides = array<i32>} : memref<16xf32, #tpu.memory_space<vmem>>, vector<16xf32>,
    tpu.vector_store %arg9[%swap3A], %mul3A_13 {strides = array<i32>} : memref<16xf32, #tpu.memory_space<vmem>>, vector<16xf32>,
    "tpu.region"() ({
      %run_scoped3A = tpu.sem_alloc : memref<!tpu.dma_semaphore, #tpu.memory_space<semaphore_mem>>
      %dma_start3A = arith.constant 0 : i32
      %dma_start3A_15 = tpu.memref_slice %arg5[%add3A, %dma_start3A] : memref<32x16xf32, #tpu.memory_space<hbm>> -> memref<1x16xf32, #tpu.memory_space<hbm>>
      %dma_start3A_16 = tpu.memref_squeeze %dma_start3A_15 : memref<1x16xf32, #tpu.memory_space<hbm>> -> memref<16xf32, #tpu.memory_space<hbm>>
      %dma_start3A_17 = arith.constant 0 : i32
      %dma_start3A_18 = tpu.memref_slice %arg5[%add3A, %dma_start3A_17] : memref<32x16xf32, #tpu.memory_space<hbm>> -> memref<1x16xf32, #tpu.memory_space<hbm>>
      %dma_start3A_19 = tpu.memref_squeeze %dma_start3A_18 : memref<1x16xf32, #tpu.memory_space<hbm>> -> memref<16xf32, #tpu.memory_space<hbm>>
      tpu.enqueue_dma source(%arg9 : memref<16xf32, #tpu.memory_space<vmem>>) target(%dma_start3A_19 : memref<16xf32, #tpu.memory_space<hbm>>) target_semaphore(%run_scoped3A : memref<!tpu.dma_semaphore, #tpu.memory_space<semaphore_mem>>)
      %dma_wait3A = arith.constant 0 : i32
      %dma_wait3A_20 = tpu.memref_slice %arg5[%add3A, %dma_wait3A] : memref<32x16xf32, #tpu.memory_space<hbm>> -> memref<1x16xf32, #tpu.memory_space<hbm>>
      %dma_wait3A_21 = tpu.memref_squeeze %dma_wait3A_20 : memref<1x16xf32, #tpu.memory_space<hbm>> -> memref<16xf32, #tpu.memory_space<hbm>>
      %dma_wait3A_22 = arith.constant 0 : i32
      %dma_wait3A_23 = tpu.memref_slice %arg5[%add3A, %dma_wait3A_22] : memref<32x16xf32, #tpu.memory_space<hbm>> -> memref<1x16xf32, #tpu.memory_space<hbm>>
      %dma_wait3A_24 = tpu.memref_squeeze %dma_wait3A_23 : memref<1x16xf32, #tpu.memory_space<hbm>> -> memref<16xf32, #tpu.memory_space<hbm>>
      tpu.wait_dma2 semaphore(%run_scoped3A : memref<!tpu.dma_semaphore, #tpu.memory_space<semaphore_mem>>) src(%arg9 : memref<16xf32, #tpu.memory_space<vmem>>) dst(%dma_wait3A_24 : memref<16xf32, #tpu.memory_space<hbm>>)
      tpu.yield
    }) : () -> ()
    return
  }
}

module attributes {stable_mosaic.version = 14 : i64} {
  func.func @tc_body(%arg0: i32, %arg1: memref<1024x100xf32, #tpu.memory_space<vmem>>, %arg2: memref<1x1x1024xi32, #tpu.memory_space<vmem>>, %arg3: memref<1x1x100xf32, #tpu.memory_space<vmem>>, %arg4: memref<1x1xf32, #tpu.memory_space<smem>>) attributes {dimension_semantics = [#tpu.dimension_semantics<arbitrary>], iteration_bounds = array<i64: 8>, scalar_prefetch = 0 : i64, scratch_operands = 0 : i64, tpu.core_type = #tpu.core_type<tc>, window_params = [{transform_indices = @transform_0, window_bounds = array<i64: 1024, 100>}, {transform_indices = @transform_1, window_bounds = array<i64: 1, 1, 1024>}, {pipeline_mode = #tpu.pipeline_mode<synchronous>, transform_indices = @transform_2, window_bounds = array<i64: 1, 1, 100>}, {transform_indices = @transform_3, window_bounds = array<i64: 1, 1>}]} {
    %get3A = arith.constant 0 : index
    %get3A_0 = arith.constant 0 : index
    %get3A_1 = vector.load %arg1[%get3A, %get3A_0] : memref<1024x100xf32, #tpu.memory_space<vmem>>, vector<1024x100xf32>
    %mul3A = arith.constant 3.000000e+01 : f32
    %mul3A_2 = vector.broadcast %mul3A : f32 to vector<1024x100xf32>
    %mul3A_3 = arith.mulf %get3A_1, %mul3A_2 : vector<1024x100xf32>
    %get3A_4 = arith.constant 0 : index
    %get3A_5 = arith.constant 0 : index
    %get3A_6 = arith.constant 0 : index
    %get3A_7 = vector.load %arg2[%get3A_4, %get3A_5, %get3A_6] : memref<1x1x1024xi32, #tpu.memory_space<vmem>>, vector<1x1x1024xi32>
    %get3A_8 = vector.shape_cast %get3A_7 : vector<1x1x1024xi32> to vector<1024xi32>
    %get3A_9 = arith.constant 0 : index
    %get3A_10 = arith.constant 0 : index
    %get3A_11 = arith.constant 0 : index
    %get3A_12 = vector.load %arg3[%get3A_9, %get3A_10, %get3A_11] : memref<1x1x100xf32, #tpu.memory_space<vmem>>, vector<1x1x100xf32>
    %get3A_13 = vector.shape_cast %get3A_12 : vector<1x1x100xf32> to vector<100xf32>
    %iota3A = tpu.iota {dimensions = array<i32: 1>} : vector<1024x100xi32>
    %broadcast_in_dim3A = vector.shape_cast %get3A_8 : vector<1024xi32> to vector<1024x1xi32>
    %eq3A = vector.broadcast %broadcast_in_dim3A : vector<1024x1xi32> to vector<1024x100xi32>
    %eq3A_14 = arith.cmpi eq, %iota3A, %eq3A : vector<1024x100xi32>
    %broadcast_in_dim3A_15 = vector.shape_cast %get3A_13 : vector<100xf32> to vector<1x100xf32>
    %mul3A_16 = arith.constant 3.000000e+01 : f32
    %mul3A_17 = vector.broadcast %mul3A_16 : f32 to vector<1x100xf32>
    %mul3A_18 = arith.mulf %broadcast_in_dim3A_15, %mul3A_17 : vector<1x100xf32>
    %jit3A = arith.constant 0.000000e+00 : f32
    %broadcast_in_dim3A_19 = vector.shape_cast %mul3A_18 : vector<1x100xf32> to vector<1x100xf32>
    %broadcast_in_dim3A_20 = vector.broadcast %broadcast_in_dim3A_19 : vector<1x100xf32> to vector<1024x100xf32>
    %broadcast_in_dim3A_21 = vector.broadcast %jit3A : f32 to vector<1024x100xf32>
    %select_n3A = arith.select %eq3A_14, %broadcast_in_dim3A_20, %broadcast_in_dim3A_21 : vector<1024x100xi1>, vector<1024x100xf32>
    %reduce_sum3A = arith.constant dense<0.000000e+00> : vector<1024xf32>
    %reduce_sum3A_22 = vector.multi_reduction <add>, %select_n3A, %reduce_sum3A [1] : vector<1024x100xf32> to vector<1024xf32>
    %broadcast_in_dim3A_23 = vector.shape_cast %reduce_sum3A_22 : vector<1024xf32> to vector<1024x1xf32>
    %sub3A = vector.broadcast %broadcast_in_dim3A_23 : vector<1024x1xf32> to vector<1024x100xf32>
    %sub3A_24 = arith.subf %mul3A_3, %sub3A : vector<1024x100xf32>
    %select_n3A_25 = arith.select %eq3A_14, %sub3A_24, %mul3A_3 : vector<1024x100xi1>, vector<1024x100xf32>
    %jit3A_26 = arith.constant 0.000000e+00 : f32
    %broadcast_in_dim3A_27 = vector.broadcast %jit3A_26 : f32 to vector<1024x100xf32>
    %select_n3A_28 = arith.select %eq3A_14, %select_n3A_25, %broadcast_in_dim3A_27 : vector<1024x100xi1>, vector<1024x100xf32>
    %reduce_sum3A_29 = arith.constant dense<0.000000e+00> : vector<1024xf32>
    %reduce_sum3A_30 = vector.multi_reduction <add>, %select_n3A_28, %reduce_sum3A_29 [1] : vector<1024x100xf32> to vector<1024xf32>
    %reduce_max3A = arith.constant dense<0xFF800000> : vector<1024xf32>
    %reduce_max3A_31 = vector.multi_reduction <maximumf>, %select_n3A_25, %reduce_max3A [1] : vector<1024x100xf32> to vector<1024xf32>
    %broadcast_in_dim3A_32 = vector.shape_cast %reduce_max3A_31 : vector<1024xf32> to vector<1024x1xf32>
    %sub3A_33 = vector.broadcast %broadcast_in_dim3A_32 : vector<1024x1xf32> to vector<1024x100xf32>
    %sub3A_34 = arith.subf %select_n3A_25, %sub3A_33 : vector<1024x100xf32>
    %exp3A = math.exp %sub3A_34 : vector<1024x100xf32>
    %reduce_sum3A_35 = arith.constant dense<0.000000e+00> : vector<1024xf32>
    %reduce_sum3A_36 = vector.multi_reduction <add>, %exp3A, %reduce_sum3A_35 [1] : vector<1024x100xf32> to vector<1024xf32>
    %log3A = math.log %reduce_sum3A_36 : vector<1024xf32>
    %add3A = arith.addf %reduce_max3A_31, %log3A : vector<1024xf32>
    %sub3A_37 = arith.subf %add3A, %reduce_sum3A_30 : vector<1024xf32>
    %eq3A_38 = arith.constant 0 : i32
    %eq3A_39 = arith.cmpi eq, %arg0, %eq3A_38 : i32
    %convert_element_type3A = arith.extui %eq3A_39 : i1 to i32
    %cond3A = arith.constant 0 : i32
    %cond3A_40 = arith.cmpi ne, %convert_element_type3A, %cond3A : i32
    scf.if %cond3A_40 {
      %swap3A_54 = arith.constant 0.000000e+00 : f32
      %swap3A_55 = arith.constant 0 : index
      %swap3A_56 = arith.constant 0 : index
      %swap3A_57 = memref.load %arg4[%swap3A_55, %swap3A_56] : memref<1x1xf32, #tpu.memory_space<smem>>
      memref.store %swap3A_54, %arg4[%swap3A_55, %swap3A_56] : memref<1x1xf32, #tpu.memory_space<smem>>
    } else {
    }
    %get3A_41 = arith.constant 0 : index
    %get3A_42 = arith.constant 0 : index
    %get3A_43 = memref.load %arg4[%get3A_41, %get3A_42] : memref<1x1xf32, #tpu.memory_space<smem>>
    %reduce_sum3A_44 = vector.shape_cast %sub3A_37 : vector<1024xf32> to vector<1x1024xf32>
    %reduce_sum3A_45 = arith.constant dense<0.000000e+00> : vector<1xf32>
    %reduce_sum3A_46 = vector.multi_reduction <add>, %reduce_sum3A_44, %reduce_sum3A_45 [1] : vector<1x1024xf32> to vector<1xf32>
    %reduce_sum3A_47 = vector.shape_cast %reduce_sum3A_46 : vector<1xf32> to vector<1x1xf32>
    %reduce_sum3A_48 = vector.extract %reduce_sum3A_47[0, 0] : f32 from vector<1x1xf32>
    %mul3A_49 = arith.constant 6.10351563E-5 : f32
    %mul3A_50 = arith.mulf %reduce_sum3A_48, %mul3A_49 : f32
    %add3A_51 = arith.addf %get3A_43, %mul3A_50 : f32
    %swap3A = arith.constant 0 : index
    %swap3A_52 = arith.constant 0 : index
    %swap3A_53 = memref.load %arg4[%swap3A, %swap3A_52] : memref<1x1xf32, #tpu.memory_space<smem>>
    memref.store %add3A_51, %arg4[%swap3A, %swap3A_52] : memref<1x1xf32, #tpu.memory_space<smem>>
    return
  }
  func.func @transform_0(%arg0: i32) -> (i32, i32) {
    %add3A = arith.constant 8 : i32
    %add3A_0 = arith.addi %arg0, %add3A : i32
    %c0_i32 = arith.constant 0 : i32
    %c0_i32_1 = arith.constant 0 : i32
    return %add3A_0, %c0_i32 : i32, i32
  }
  func.func @transform_1(%arg0: i32) -> (i32, i32, i32) {
    %add3A = arith.constant 8 : i32
    %add3A_0 = arith.addi %arg0, %add3A : i32
    %c0_i32 = arith.constant 0 : i32
    %c0_i32_1 = arith.constant 0 : i32
    %c0_i32_2 = arith.constant 0 : i32
    return %add3A_0, %c0_i32, %c0_i32_1 : i32, i32, i32
  }
  func.func @transform_2(%arg0: i32) -> (i32, i32, i32) {
    %c0_i32 = arith.constant 0 : i32
    %c0_i32_0 = arith.constant 0 : i32
    %c0_i32_1 = arith.constant 0 : i32
    %c0_i32_2 = arith.constant 0 : i32
    return %c0_i32, %c0_i32_0, %c0_i32_1 : i32, i32, i32
  }
  func.func @transform_3(%arg0: i32) -> (i32, i32) {
    %c0_i32 = arith.constant 0 : i32
    %c0_i32_0 = arith.constant 0 : i32
    %c0_i32_1 = arith.constant 0 : i32
    return %c0_i32, %c0_i32_0 : i32, i32
  }
}

module attributes {stable_mosaic.version = 14 : i64} {
  func.func @_finish_body(%arg0: memref<32x16xf32, #tpu.memory_space<vmem>>, %arg1: memref<1x1xf32, #tpu.memory_space<vmem>>, %arg2: memref<1x1xf32, #tpu.memory_space<smem>>) attributes {dimension_semantics = [], scalar_prefetch = 0 : i64, scratch_operands = 0 : i64, tpu.core_type = #tpu.core_type<tc>} {
    %get3A = arith.constant 0 : index
    %get3A_0 = arith.constant 0 : index
    %get3A_1 = vector.load %arg0[%get3A, %get3A_0] : memref<32x16xf32, #tpu.memory_space<vmem>>, vector<32x16xf32>
    %reduce_sum3A = vector.shape_cast %get3A_1 : vector<32x16xf32> to vector<1x32x16xf32>
    %reduce_sum3A_2 = arith.constant dense<0.000000e+00> : vector<1xf32>
    %reduce_sum3A_3 = vector.multi_reduction <add>, %reduce_sum3A, %reduce_sum3A_2 [1, 2] : vector<1x32x16xf32> to vector<1xf32>
    %reduce_sum3A_4 = vector.shape_cast %reduce_sum3A_3 : vector<1xf32> to vector<1x1x1xf32>
    %reduce_sum3A_5 = vector.extract %reduce_sum3A_4[0, 0, 0] : f32 from vector<1x1x1xf32>
    %get3A_6 = arith.constant 0 : index
    %get3A_7 = arith.constant 0 : index
    %get3A_8 = vector.load %arg1[%get3A_6, %get3A_7] : memref<1x1xf32, #tpu.memory_space<vmem>>, vector<1x1xf32>
    %get3A_9 = vector.extract %get3A_8[0, 0] : f32 from vector<1x1xf32>
    %add3A = arith.addf %reduce_sum3A_5, %get3A_9 : f32
    %swap3A = arith.constant 0 : index
    %swap3A_10 = arith.constant 0 : index
    %swap3A_11 = memref.load %arg2[%swap3A, %swap3A_10] : memref<1x1xf32, #tpu.memory_space<smem>>
    memref.store %add3A, %arg2[%swap3A, %swap3A_10] : memref<1x1xf32, #tpu.memory_space<smem>>
    return
  }
}

</mosaic_0001>

<sc_bundles>
// kernel: kernel.5.cloned.1.call-start
scs
__scs_entry_jumppad:
0x0: {  	(pc) =	sbr.rel $0x88, $3  }
0x1: {  	(tag) =	ssettag $0x0;
	lr =	simm.s32 $0x1  }
0x2: {  	[smem:$0x3F9E] =	sst lr;
	_ =	strace $0xD0000000  }
0x3: {  	_ = 	snop  }
0x4: {  	_ = 	snop  }
0x5: {  	_ = 	snop  }
0x6: {  	_ = 	snop  }
0x7: {  	_ = 	snop  }
__scs_overlays_trampoline_lowered:
0x8: {  	[smem:$0x3FAD] =	sst s0  }
0x9: {  	[smem:$0x3FAE] =	sst s1  }
0xa: {  	[smem:$0x3FAF] =	sst s2  }
0xb: {  	[smem:$0x3FB0] =	sst s3  }
0xc: {  	[smem:$0x3FB1] =	sst s4  }
0xd: {  	[smem:$0x3FB2] =	sst s5  }
0xe: {  	[smem:$0x3FB3] =	sst s6  }
0xf: {  	[smem:$0x3FB4] =	sst s7  }
0x10: {  	[smem:$0x3FB5] =	sst s8  }
0x11: {  	[smem:$0x3FB6] =	sst s9;
	s0 =	simm.s32 @!p0 $0x0  }
0x12: {  	s1 =	sld [smem:$0x3F9C];
	s0 =	simm.s32 @p0 $0x1  }
0x13: {  	[smem:$0x3FB7] =	sst s0;
	s0 =	simm.s32 @!p1 $0x0  }
0x14: {  	s2 =	sld [smem:$0x3F9B];
	s0 =	simm.s32 @p1 $0x1  }
0x15: {  	[smem:$0x3FB8] =	sst s0;
	s0 =	simm.s32 @!p2 $0x0  }
0x16: {  	s3 =	sld [smem:$0x3FDB];
	s0 =	simm.s32 @p2 $0x1  }
0x17: {  	s4 =	simm.s32 $0x1BF5;
	[smem:$0x3FBA] =	sst s0  }
0x18: {  	s0 =	sld [smem:$0x3F9D];
	_ =	swait.ge [sflag:s4], $0x0  }
0x19: {  	s7 =	sld [smem:$0x3F9E]  }
0x1a: {  	s8 =	sadd.s32 $0xFFFFE003, lr  }
0x1b: {  	s9 =	sadd.s32 $0xFFFFFEF7, lr;
	s5 =	simm.s32 $0xFFFFFFFF;
	p2 =	slt.u32 s8, $0xFFFFF086  }
0x1c: {  	p1 =	slt.u32 s9, $0xF7A;
	s5 =	simm.s32 @!p2 $0x0  }
0x1d: {  	s5 =	simm.s32 @p1 $0x1;
	p0 =	seq.s32 s7, s2  }
0x1e: {  	s7 =	smul.u32 @!p0 $0xF7A, s2;
	p2 =	seq.s32 @!p0 s5, $0x0  }
0x1f: {  	s9 =	smul.u32 $0xF7A, s1;
	s8 =	simm.s32 @!p0 $0x1BF5;
	p2 =	por !p2, p0  }
0x20: {  	[sflag:s8] =	ssyncset.s32 @!p0 $0xFFFFF086;
	s6 =	sadd.s32 @!p0 s3, s7;
	s7 =	simm.s32 @!p0 $0x108  }
0x21: {  	s3 =	sadd.s32 s3, s9;
	s6 =	sadd.s32 @!p0 $0x88, s6;
	s7 =	simm.s32 @p2 $0x1082  }
0x22: {  	[simem:s7], [sflag:s8] =	dma.local @!p0 [hbm:s6], $0xF7A  }
0x23: {  	s9 =	sor.u32 $0xD0000000, s2;
	s6 =	simm.s32 $0x108;
	_ =	swait.ge @!p0 [sflag:s8], $0x0  }
0x24: {  	s3 =	sadd.s32 $0x88, s3;
	s6 =	simm.s32 @!p1 $0x1082;
	[sflag:s4] =	ssyncset.s32 $0xFFFFF086  }
0x25: {  	[simem:s6], [sflag:s4] =	dma.local [hbm:s3], $0xF7A  }
0x26: {  	[smem:$0x3F9E] =	sst s1;
	(tag) =	ssettag s2;
	_ =	strace s9  }
0x27: {  	s1 =	sld [smem:$0x3FAE]  }
0x28: {  	s2 =	sld [smem:$0x3FAF]  }
0x29: {  	s4 =	sld [smem:$0x3FB1]  }
0x2a: {  	p0 =	seq.s32 s5, $0x0;
	s5 =	sld [smem:$0x3FB2]  }
0x2b: {  	s6 =	sld [smem:$0x3FB3]  }
0x2c: {  	s7 =	sld [smem:$0x3FB4]  }
0x2d: {  	s3 =	simm.s32 $0x108;
	s8 =	sld [smem:$0x3FB5]  }
0x2e: {  	s3 =	simm.s32 @!p0 $0x1082;
	s9 =	sld [smem:$0x3FB6]  }
0x2f: {  	lr =	sadd.s32 s0, s3;
	s0 =	sld [smem:$0x3FAD]  }
0x30: {  	s3 =	sld [smem:$0x3FB0]  }
0x31: {  	[smem:$0x3FB9] =	sst s10  }
0x32: {  	s10 =	sld [smem:$0x3FB7];
	_ =	sdelay $0x3  }
0x33: {  	p0 =	seq.s32 s10, $0x1;
	s10 =	sld [smem:$0x3FB9];
	_ =	sdelay $0x3  }
0x34: {  	[smem:$0x3FB9] =	sst s10  }
0x35: {  	s10 =	sld [smem:$0x3FB8];
	_ =	sdelay $0x3  }
0x36: {  	p1 =	seq.s32 s10, $0x1;
	s10 =	sld [smem:$0x3FB9];
	_ =	sdelay $0x3  }
0x37: {  	[smem:$0x3FB9] =	sst s10  }
0x38: {  	s10 =	sld [smem:$0x3FBA]  }
0x39: {  	_ = 	snop;
	(pc) =	sbr.ind lr, $3  }
0x3a: {  	_ = 	snop  }
0x3b: {  	_ = 	snop  }
0x3c: {  	p2 =	seq.s32 s10, $0x1;
	s10 =	sld [smem:$0x3FB9]  }
0x3d: {  	_ =	shalt  }
0x3e: {  	_ =	shalt  }
0x3f: {  	_ =	shalt  }
0x40: {  	_ =	shalt  }
0x41: {  	_ =	shalt  }
0x42: {  	_ =	shalt  }
0x43: {  	_ =	shalt  }
0x44: {  	_ =	shalt  }
0x45: {  	_ =	shalt  }
0x46: {  	_ =	shalt  }
0x47: {  	_ =	shalt  }
0x48: {  	_ =	shalt  }
0x49: {  	_ =	shalt  }
0x4a: {  	_ =	shalt  }
0x4b: {  	_ =	shalt  }
0x4c: {  	_ =	shalt  }
0x4d: {  	_ =	shalt  }
0x4e: {  	_ =	shalt  }
0x4f: {  	_ =	shalt  }
0x50: {  	_ =	shalt  }
0x51: {  	_ =	shalt  }
0x52: {  	_ =	shalt  }
0x53: {  	_ =	shalt  }
0x54: {  	_ =	shalt  }
0x55: {  	_ =	shalt  }
0x56: {  	_ =	shalt  }
0x57: {  	_ =	shalt  }
0x58: {  	_ =	shalt  }
0x59: {  	_ =	shalt  }
0x5a: {  	_ =	shalt  }
0x5b: {  	_ =	shalt  }
0x5c: {  	_ =	shalt  }
0x5d: {  	_ =	shalt  }
0x5e: {  	_ =	shalt  }
0x5f: {  	_ =	shalt  }
0x60: {  	_ =	shalt  }
0x61: {  	_ =	shalt  }
0x62: {  	_ =	shalt  }
0x63: {  	_ =	shalt  }
0x64: {  	_ =	shalt  }
0x65: {  	_ =	shalt  }
0x66: {  	_ =	shalt  }
0x67: {  	_ =	shalt  }
0x68: {  	_ =	shalt  }
0x69: {  	_ =	shalt  }
0x6a: {  	_ =	shalt  }
0x6b: {  	_ =	shalt  }
0x6c: {  	_ =	shalt  }
0x6d: {  	_ =	shalt  }
0x6e: {  	_ =	shalt  }
0x6f: {  	_ =	shalt  }
0x70: {  	_ =	shalt  }
0x71: {  	_ =	shalt  }
0x72: {  	_ =	shalt  }
0x73: {  	_ =	shalt  }
0x74: {  	_ =	shalt  }
0x75: {  	_ =	shalt  }
0x76: {  	_ =	shalt  }
0x77: {  	_ =	shalt  }
0x78: {  	_ =	shalt  }
0x79: {  	_ =	shalt  }
0x7a: {  	_ =	shalt  }
0x7b: {  	_ =	shalt  }
0x7c: {  	_ =	shalt  }
0x7d: {  	_ =	shalt  }
0x7e: {  	_ =	shalt  }
0x7f: {  	_ =	shalt  }
0x80: {  	_ =	shalt  }
0x81: {  	_ =	shalt  }
0x82: {  	_ =	shalt  }
0x83: {  	_ =	shalt  }
0x84: {  	_ =	shalt  }
0x85: {  	_ =	shalt  }
0x86: {  	_ =	shalt  }
0x87: {  	_ =	shalt  }
.Lfunc_end0:
.L_simem_size_0:
called_computation_lowered:
.L_overlay_start_0:
0x88: {  	s2 =	sld [smem:$0x3FD9]  }
0x89: {  	s3 =	sld [smem:$0x3FFE];
	_ =	sdelay $0x1  }
0x8a: {  	s1 =	srdreg.scid  }
0x8b: {  	s0 =	sand.u32 $0x1, s1  }
0x8c: {  	s17 =	sshll.u32 s0, $0xA;
	s2 =	sadd.s32 s3, s2  }
0x8d: {  	s2 =	sadd.s32 s2, s17  }
0x8e: {  	[smem:$0x3FC5] =	sst s2  }
0x8f: {  	_ = 	snop  }
0x90: {  	s2 =	sld [smem:$0x3FC7];
	(tm) =	ssettm $0x1  }
0x91: {  	s18 =	sld [smem:$0x3FFB];
	_ =	sdelay $0x3  }
0x92: {  	_ =	strace s18  }
0x93: {  	s3 =	sld [smem:$0x3FFC];
	_ =	sdelay $0x3  }
0x94: {  	_ =	strace s3  }
0x95: {  	s3 =	sld [smem:$0x3FFD];
	_ =	sdelay $0x3  }
0x96: {  	_ =	strace s3  }
0x97: {  	_ =	strace $0x8FFFFFFF  }
0x98: {  	s19 =	sld [smem:$0x3FDB];
	_ =	sdelay $0x1  }
0x99: {  	s4 =	simm.s32 $_scs_section_size  }
0x9a: {  	s5 =	simm.s32 $_size__tile_overlayer_lowered;
	s6 =	simm.s32 $_tile_overlayer_lowered  }
0x9b: {  	s22 =	simm.s32 $0x1BFF;
	s21 =	sshll.u32 s6, $0x1;
	s3 =	sadd.s32 s4, s19  }
0x9c: {  	s7 =	simm.s32 $0x0;
	s20 =	sshll.u32 s5, $0x1;
	s5 =	sadd.s32 s21, s3  }
0x9d: {  	[timem:s7], [sflag:s22] =	dma.local [hbm:s5], s20  }
0x9e: {  	_ =	swait.ge [sflag:s22], s20  }
0x9f: {  	s4 =	ssub.s32 $0x0, s20;
	[sflag:s22] =	ssyncset.done $0x0  }
0xa0: {  	[sflag:s22] =	ssyncadd.s32 s4;
	_ =	sdelay $0x1  }
0xa1: {  	s23 =	simm.s32 $0x1B8B  }
0xa2: {  	_ =	swait.ge [sflag:s23], $0x1  }
0xa3: {  	[sflag:s23] =	ssyncset.done $0x0  }
0xa4: {  	s25 =	simm.s32 $0x1B8E;
	s24 =	sld [smem:$0x3FFE];
	[sflag:s23] =	ssyncadd.s32 $0xFFFFFFFF  }
0xa5: {  	s26 =	simm.s32 $execute0_lowered;
	[smem:$0x3FD2] =	sst s25  }
0xa6: {  	s5 =	sshll.u32 s26, $0x1;
	_ =	strace $0x80000046;
	[dreg:$0x1] =	wrdreg $0xFFFFFFFF  }
0xa7: {  	s28 =	simm.s32 $_size_execute0_lowered;
	s3 =	sadd.s32 s3, s5;
	[dreg:$0x0] =	wrdreg $0x0  }
0xa8: {  	s5 =	sshll.u32 s28, $0x1;
	[dreg:$0x2] =	wrdreg s3  }
0xa9: {  	[dreg:$0x3] =	wrdreg s5  }
0xaa: {  	[dreg:$0x4] =	wrdreg $0xC0  }
0xab: {  	_ =	task [dreg:s7], $0x5FFFF  }
0xac: {  	[dreg:$0x1] =	wrdreg $0xFFFFFFFF  }
0xad: {  	[dreg:$0x0] =	wrdreg $0x60  }
0xae: {  	[dreg:$0x2] =	wrdreg s24  }
0xaf: {  	[dreg:$0x3] =	wrdreg s2  }
0xb0: {  	[dreg:$0x4] =	wrdreg $0x9  }
0xb1: {  	_ =	task.clear_ibuf [dreg:s7], $0x5FFFF;
	_ =	strace $0x90000046  }
0xb2: {  	s29 =	simm.s32 $0x9;
	_ =	strace $0x80000048  }
0xb3: {  	_ =	swait.ge [sflag:s29], $0x1  }
0xb4: {  	[sflag:s29] =	ssyncadd.s32 $0xFFFFFFFF  }
0xb5: {  	_ =	strace $0x90000048  }
0xb6: {  	_ =	sfence  }
0xb7: {  	s30 =	sld [smem:$0x0];
	_ =	sdelay $0x2  }
0xb8: {  	s31 =	sshll.u32 s1, $0xD;
	s1 =	sshrl.u32 s1, $0x2  }
0xb9: {  	s3 =	sand.u32 $0x4000, s31;
	s1 =	sadd.s32 s1, s30  }
0xba: {  	s0 =	sor.u32 s3, s0;
	s1 =	sshll.u32 s1, $0x11  }
0xbb: {  	s0 =	sor.u32 s1, s0  }
0xbc: {  	s0 =	sadd.s32 $0x8F2B, s0  }
0xbd: {  	[sflag:s0] =	ssyncadd.remote.s32 $0x1  }
0xbe: {  	_ =	sfence.sel $0xFFFF  }
0xbf: {  	[dreg:$0x0] =	wrdreg $0xFFFFFFFF;
	(pc) =	sbr.abs _section_cstart, $3  }
0xc0: {  	[dreg:$0x1] =	wrdreg $0xFFFFFFFF  }
0xc1: {  	_ =	task.clear_ibuf [dreg:s7], $0x2FFFF;
	_ =	strace $0x9FFFFFFF  }
0xc2: {  	(tm) =	ssettm $0x7FFFFFFF  }
0xc3: {  	_ =	shalt  }
tec
execute0_lowered:
.L_overlay_start_1:
0x0: {  	(tag) =	ssettag $0x1  }
0x1: {  	s4 =	rddreg [dreg:$0x0]  }
0x2: {  	s0 =	srdreg.scid;
	s2 =	rddreg [dreg:$0x1]  }
0x3: {  	s1 =	stileid.u32;
	s3 =	simm.s32 $0x0;
	s11 =	simm.s32 $0x6580  }
0x4: {  	s12 =	simm.s32 $0x0;
	s5 =	sand.u32 $0x1, s0;
	s0 =	rddreg [dreg:$0x2]  }
0x5: {  	[smem:$0x7FF] =	sst s3;
	s9 =	sshll.u32 s1, $0x4;
	s6 =	sshll.u32 s5, $0x4  }
0x6: {  	_ =	strace $0x80000047;
	s9 =	sand.u32 $0x70, s9;
	s5 =	ssub.s32 $0x2, s5  }
0x7: {  	s6 =	sor.u32 s1, s6;
	s9 =	sadd.s32 s9, s4;
	s10 =	sshrl.u32 s5, $0x1  }
0x8: {  	s7 =	smul.u32 $0xC80, s6;
	s8 =	sshll.u32 s6, $0x5;
	s6 =	sshll.u32 s6, $0x4  }
0x9: {  	s10 =	ssub.s32 s5, s10;
	s6 =	sand.u32 $0x180, s6;
	s8 =	sadd.s32 s8, s4  }
0xa: {  	s7 =	sadd.s32 s7, s4;
	s6 =	sadd.s32 s6, s9;
	s5 =	sadd.s32 $0x1600, s8  }
0xb: {  	v0 =	vlaneseq.u32;
	s8 =	simm.s32 $0x1;
	s9 =	simm.s32 $0x6400;
	s4 =	sadd.s32 $0x1A00, s7  }
0xc: {  	v2 =	vimm.s32 $0xFFFFFF81;
	v1 =	vmul.u32 $0x64, v0;
	s6 =	sadd.s32 $0x1AA00, s6;
	s7 =	smax.u32 s10, $0x1;
	s10 =	simm.s32 $0x6500  }
.LBB2_1:
0xd: {  	[tilespmem:s3], [sflag:$0x1] =	stream.linear.gather [hbm4b:s4+s3], $0x6400, $0x38;
	[tilespmem:$0x6600] =	vst v63  }
0xe: {  	_ =	swait.ge [sflag:s8], $0x6400  }
0xf: {  	[sflag:s8] =	ssyncset.done $0x0  }
0x10: {  	[sflag:s8] =	ssyncadd.s32 $0xFFFF9C00  }
0x11: {  	[tilespmem:s9], [sflag:$0x1] =	stream.linear.gather [hbm4b:s5+s3], $0x100, $0x38;
	[tilespmem:$0x6600] =	vst v63  }
0x12: {  	_ =	swait.ge [sflag:s8], $0x100  }
0x13: {  	[sflag:s8] =	ssyncset.done $0x0  }
0x14: {  	[sflag:s8] =	ssyncadd.s32 $0xFFFFFF00  }
0x15: {  	[tilespmem:s10], [sflag:$0x1] =	stream.linear.gather [hbm4b:s2+s3], $0x80, $0x38;
	[tilespmem:$0x6600] =	vst v63  }
0x16: {  	_ =	swait.ge [sflag:s8], $0x80  }
0x17: {  	[sflag:s8] =	ssyncset.done $0x0  }
0x18: {  	v3 =	vimm.f32 $0.0e+00;
	s13 =	simm.s32 $0x0;
	[sflag:s8] =	ssyncadd.s32 $0xFFFFFF80  }
.LBB2_2:
0x19: {  	s14 =	sshll.u32 s13, $0x4  }
0x1a: {  	v4 =	vor.u32 s14, v0;
	_ =	sdelay $0x4  }
0x1b: {  	v6 =	vld.idx.msk [tilespmem:v4+s9+$0x0], $0xffff;
	v4 =	vmov s14  }
0x1c: {  	v4 =	vmul.u32 $0x64, v4;
	_ =	sdelay $0x1  }
0x1d: {  	s29 =	simm.s32 $0x9;
	v7 =	vadd.s32 v1, v4  }
0x1e: {  	s15 =	simm.s32 $0x0;
	v8 =	vadd.s32 s29, v7  }
0x1f: {  	s30 =	simm.s32 $0x1;
	v9 =	vadd.s32 s15, v7  }
0x20: {  	s31 =	simm.s32 $0x2;
	v10 =	vadd.s32 s30, v7  }
0x21: {  	s16 =	simm.s32 $0x4;
	v11 =	vadd.s32 s31, v7  }
0x22: {  	v13 =	vadd.s32 s16, v7;
	v4 =	vld.idx.msk [tilespmem:v6+s10+$0x0], $0xffff  }
0x23: {  	s15 =	simm.s32 $0x3;
	v5 =	vadd.s32 v7, v6;
	v14 =	vld.idx.msk [tilespmem:v8+s3+$0x0], $0xffff  }
0x24: {  	s17 =	simm.s32 $0x5;
	v12 =	vadd.s32 s15, v7;
	v15 =	vld.idx.msk [tilespmem:v9+s3+$0x0], $0xffff  }
0x25: {  	s18 =	simm.s32 $0x6;
	v8 =	vadd.s32 s17, v7;
	v16 =	vld.idx.msk [tilespmem:v10+s3+$0x0], $0xffff  }
0x26: {  	s19 =	simm.s32 $0x7;
	v9 =	vadd.s32 s18, v7;
	v17 =	vld.idx.msk [tilespmem:v11+s3+$0x0], $0xffff  }
0x27: {  	s20 =	simm.s32 $0x8;
	v10 =	vadd.s32 s19, v7;
	v22 =	vld.idx.msk [tilespmem:v13+s3+$0x0], $0xffff  }
0x28: {  	s22 =	simm.s32 $0xA;
	v11 =	vadd.s32 s20, v7;
	v5 =	vld.idx.msk [tilespmem:v5+s3+$0x0], $0xffff  }
0x29: {  	s21 =	simm.s32 $0x13;
	v13 =	vadd.s32 s22, v7;
	v21 =	vld.idx.msk [tilespmem:v12+s3+$0x0], $0xffff  }
0x2a: {  	s23 =	simm.s32 $0xB;
	v12 =	vadd.s32 s21, v7;
	v23 =	vld.idx.msk [tilespmem:v8+s3+$0x0], $0xffff  }
0x2b: {  	s24 =	simm.s32 $0xC;
	v26 =	vadd.s32 s23, v7;
	v28 =	vld.idx.msk [tilespmem:v9+s3+$0x0], $0xffff  }
0x2c: {  	s25 =	simm.s32 $0xD;
	v27 =	vadd.s32 s24, v7;
	v29 =	vld.idx.msk [tilespmem:v10+s3+$0x0], $0xffff  }
0x2d: {  	s26 =	simm.s32 $0xE;
	s28 =	simm.s32 $0xF;
	v30 =	vadd.s32 s25, v7;
	v18 =	vld.idx.msk [tilespmem:v11+s3+$0x0], $0xffff  }
0x2e: {  	v24 =	vadd.s32 s26, v7;
	v25 =	vadd.s32 s28, v7;
	v8 =	vimm.f32 $-Inf;
	v20 =	vld.idx.msk [tilespmem:v13+s3+$0x0], $0xffff  }
0x2f: {  	v9 =	vmax.f32 v8, v14;
	v10 =	vmax.f32 v8, v15;
	v19 =	vld.idx.msk [tilespmem:v12+s3+$0x0], $0xffff;
	v11 =	vmax.f32 v8, v16  }
0x30: {  	s29 =	simm.s32 $0x10;
	s30 =	simm.s32 $0x11;
	v12 =	vmax.f32 v8, v17;
	v13 =	vmax.f32 v8, v21;
	v14 =	vmax.f32 v8, v22;
	v21 =	vld.idx.msk [tilespmem:v26+s3+$0x0], $0xffff  }
0x31: {  	s31 =	simm.s32 $0x12;
	v26 =	vadd.s32 s29, v7;
	v22 =	vld.idx.msk [tilespmem:v27+s3+$0x0], $0xffff;
	v27 =	vadd.s32 s30, v7;
	v15 =	vmax.f32 v8, v23  }
0x32: {  	s14 =	simm.s32 $0x1D;
	v16 =	vmax.f32 v8, v28;
	v23 =	vld.idx.msk [tilespmem:v30+s3+$0x0], $0xffff;
	v28 =	vadd.s32 s31, v7;
	v17 =	vmax.f32 v8, v29  }
.LBB2_3:
0x33: {  	s15 =	sadd.s32 $0xFFFFFFF7, s14  }
0x34: {  	v29 =	vadd.s32 s14, v7;
	p0 =	sne.s32 s14, $0x63;
	v30 =	vld.idx.msk [tilespmem:v24+s3+$0x0], $0xffff;
	v8 =	vmax.f32 v8, v18;
	s16 =	smov.u32 s14;
	s14 =	sadd.s32 $0xA, s14  }
0x35: {  	v9 =	vmax.f32 v9, v19;
	v31 =	vadd.s32 s15, v7;
	s15 =	sadd.s32 $0xFFFFFFF8, s16;
	v32 =	vld.idx.msk [tilespmem:v25+s3+$0x0], $0xffff  }
0x36: {  	v10 =	vmax.f32 v10, v20;
	v33 =	vadd.s32 s15, v7;
	s15 =	sadd.s32 $0xFFFFFFF9, s16;
	v34 =	vld.idx.msk [tilespmem:v26+s3+$0x0], $0xffff  }
0x37: {  	v11 =	vmax.f32 v11, v21;
	v35 =	vadd.s32 s15, v7;
	s15 =	sadd.s32 $0xFFFFFFFA, s16;
	v36 =	vld.idx.msk [tilespmem:v27+s3+$0x0], $0xffff  }
0x38: {  	v12 =	vmax.f32 v12, v22;
	v37 =	vadd.s32 s15, v7;
	s15 =	sadd.s32 $0xFFFFFFFB, s16;
	v18 =	vld.idx.msk [tilespmem:v28+s3+$0x0], $0xffff  }
.Ltmp0:
0x39: {  	v13 =	vmax.f32 v13, v23;
	v24 =	vadd.s32 s15, v7;
	s15 =	sadd.s32 $0xFFFFFFFC, s16;
	v19 =	vld.idx.msk [tilespmem:v29+s3+$0x0], $0xffff;
	(pc) =	sbr.rel @p0 .LBB2_3-.Ltmp0, $4  }
0x3a: {  	v14 =	vmax.f32 v14, v30;
	v20 =	vld.idx.msk [tilespmem:v31+s3+$0x0], $0xffff;
	v25 =	vadd.s32 s15, v7;
	s15 =	sadd.s32 $0xFFFFFFFD, s16  }
0x3b: {  	v15 =	vmax.f32 v15, v32;
	v21 =	vld.idx.msk [tilespmem:v33+s3+$0x0], $0xffff;
	v26 =	vadd.s32 s15, v7;
	s15 =	sadd.s32 $0xFFFFFFFE, s16  }
0x3c: {  	v16 =	vmax.f32 v16, v34;
	v22 =	vld.idx.msk [tilespmem:v35+s3+$0x0], $0xffff;
	v27 =	vadd.s32 s15, v7;
	s15 =	sadd.s32 $0xFFFFFFFF, s16  }
0x3d: {  	v17 =	vmax.f32 v17, v36;
	v23 =	vld.idx.msk [tilespmem:v37+s3+$0x0], $0xffff;
	v28 =	vadd.s32 s15, v7  }
0x3e: {  	_ =	sdelay $0x2  }
0x3f: {  	v8 =	vmax.f32 v8, v18;
	v9 =	vmax.f32 v9, v19;
	s14 =	simm.s32 $0x1;
	s17 =	simm.s32 $0x4  }
0x40: {  	v24 =	vld.idx.msk [tilespmem:v24+s3+$0x0], $0xffff;
	s16 =	simm.s32 $0x5;
	s20 =	simm.s32 $0x0;
	s21 =	simm.s32 $0x2;
	v10 =	vmax.f32 v10, v20;
	v18 =	vadd.s32 s14, v7;
	vm0 =	veq.s32 v6, s17  }
0x41: {  	v25 =	vld.idx.msk [tilespmem:v25+s3+$0x0], $0xffff;
	s15 =	simm.s32 $0x3;
	s18 =	simm.s32 $0x6;
	vm1 =	veq.s32 v6, s16;
	vm2 =	veq.s32 v6, s20;
	vm3 =	veq.s32 v6, s21  }
0x42: {  	v26 =	vld.idx.msk [tilespmem:v26+s3+$0x0], $0xffff;
	s19 =	simm.s32 $0x8;
	s22 =	simm.s32 $0x7;
	s28 =	simm.s32 $0xE;
	vm4 =	veq.s32 v6, s14;
	vm11 =	veq.s32 v6, s15;
	vm12 =	veq.s32 v6, s18  }
0x43: {  	v27 =	vld.idx.msk [tilespmem:v27+s3+$0x0], $0xffff;
	s25 =	simm.s32 $0xC;
	vm13 =	veq.s32 v6, s19;
	vm14 =	veq.s32 v6, s22;
	vm15 =	veq.s32 v6, s28  }
0x44: {  	s29 =	simm.s32 $0xF;
	vm9 =	veq.s32 v6, s25;
	v11 =	vmax.f32 v11, v21;
	v19 =	vnsel vm3, $0x0, v4  }
0x45: {  	v20 =	vnsel vm4, $0x0, v4;
	v21 =	vnsel vm0, $0x0, v4;
	vm0 =	veq.s32 v6, s29  }
0x46: {  	v12 =	vmax.f32 v12, v22;
	v10 =	vmax.f32 v10, v11;
	v13 =	vmax.f32 v13, v23  }
0x47: {  	v28 =	vld.idx.msk [tilespmem:v28+s3+$0x0], $0xffff;
	v14 =	vmax.f32 v14, v24;
	v15 =	vmax.f32 v15, v25;
	v16 =	vmax.f32 v16, v26  }
0x48: {  	v17 =	vmax.f32 v17, v27;
	v11 =	vmax.f32 v12, v13;
	v12 =	vadd.s32 s15, v7  }
0x49: {  	v13 =	vmax.f32 v14, v15;
	v14 =	vmax.f32 v16, v17;
	v15 =	vadd.s32 s16, v7  }
0x4a: {  	s23 =	simm.s32 $0x12;
	v10 =	vmax.f32 v10, v11;
	v11 =	vmax.f32 v13, v14;
	v13 =	vadd.s32 s17, v7  }
0x4b: {  	v30 =	vnsel vm15, $0x0, v4;
	vm15 =	veq.s32 v6, s23;
	v17 =	vadd.s32 s21, v7  }
0x4c: {  	v22 =	vnsel vm11, $0x0, v4;
	v8 =	vmax.f32 v8, v28;
	v14 =	vld.idx.msk [tilespmem:v18+s3+$0x0], $0xffff;
	v18 =	vadd.s32 s22, v7  }
0x4d: {  	s24 =	simm.s32 $0xB;
	v8 =	vmax.f32 v8, v9;
	v9 =	vmax.f32 v10, v11;
	v10 =	vadd.s32 s18, v7;
	v12 =	vld.idx.msk [tilespmem:v12+s3+$0x0], $0xffff  }
0x4e: {  	vm11 =	veq.s32 v6, s24;
	v23 =	vnsel vm2, $0x0, v4;
	s21 =	simm.s32 $0x9;
	v11 =	vadd.s32 s19, v7;
	v15 =	vld.idx.msk [tilespmem:v15+s3+$0x0], $0xffff  }
0x4f: {  	v29 =	vnsel vm11, $0x0, v4;
	v24 =	vadd.s32 s23, v7;
	s22 =	simm.s32 $0xA;
	vm10 =	veq.s32 v6, s21;
	v13 =	vld.idx.msk [tilespmem:v13+s3+$0x0], $0xffff  }
0x50: {  	v16 =	vadd.s32 s20, v7;
	vm8 =	veq.s32 v6, s22;
	v62 =	vnsel vm10, $0x0, v4;
	v17 =	vld.idx.msk [tilespmem:v17+s3+$0x0], $0xffff  }
0x51: {  	v8 =	vmax.f32 v9, v8;
	v9 =	vimm.f32 $0.0e+00;
	v14 =	vsub.f32 v14, v20;
	v18 =	vld.idx.msk [tilespmem:v18+s3+$0x0], $0xffff  }
0x52: {  	s26 =	simm.s32 $0xD;
	v20 =	vnsel vm12, $0x0, v4;
	v10 =	vld.idx.msk [tilespmem:v10+s3+$0x0], $0xffff;
	v12 =	vsub.f32 v12, v22;
	v22 =	vnsel vm1, $0x0, v4  }
0x53: {  	vm12 =	veq.s32 v6, s26;
	v11 =	vld.idx.msk [tilespmem:v11+s3+$0x0], $0xffff;
	v14 =	vsub.f32 v14, v8;
	v15 =	vsub.f32 v15, v22  }
0x54: {  	v31 =	vnsel vm8, $0x0, v4;
	v63 =	vnsel vm12, $0x0, v4;
	v13 =	vsub.f32 v13, v21  }
0x55: {  	v17 =	vsub.f32 v17, v19;
	v14 =	vmul.f32 $3.000000000e+01, v14;
	v15 =	vsub.f32 v15, v8  }
0x56: {  	v19 =	vadd.s32 s26, v7;
	v21 =	vnsel vm13, $0x0, v4;
	v13 =	vsub.f32 v13, v8  }
0x57: {  	v16 =	vld.idx.msk [tilespmem:v16+s3+$0x0], $0xffff;
	v10 =	vsub.f32 v10, v20;
	v20 =	vnsel vm14, $0x0, v4;
	v15 =	vmul.f32 $3.000000000e+01, v15  }
0x58: {  	v11 =	vsub.f32 v11, v21;
	v18 =	vsub.f32 v18, v20;
	v13 =	vmul.f32 $3.000000000e+01, v13  }
0x59: {  	s30 =	simm.s32 $0x10;
	v20 =	vadd.s32 s28, v7;
	v10 =	vsub.f32 v10, v8;
	v15 =	vmul.f32 $1.442695020e+00, v15  }
0x5a: {  	v22 =	vadd.s32 s30, v7;
	v12 =	vsub.f32 v12, v8;
	v13 =	vmul.f32 $1.442695020e+00, v13  }
0x5b: {  	v11 =	vsub.f32 v11, v8;
	v10 =	vmul.f32 $3.000000000e+01, v10;
	(erf) = vpow2.f32 v15  }
0x5c: {  	(erf) = vpow2.f32 v13;
	v13 =	vsub.f32 v16, v23;
	v16 =	vadd.s32 s21, v7  }
0x5d: {  	vm13 =	veq.s32 v6, s30;
	v11 =	vmul.f32 $3.000000000e+01, v11;
	v10 =	vmul.f32 $1.442695020e+00, v10  }
0x5e: {  	v17 =	vsub.f32 v17, v8;
	v14 =	vmul.f32 $1.442695020e+00, v14;
	v12 =	vmul.f32 $3.000000000e+01, v12;
	v20 =	vld.idx.msk [tilespmem:v20+s3+$0x0], $0xffff  }
0x5f: {  	v21 =	vadd.s32 s29, v7;
	v11 =	vmul.f32 $1.442695020e+00, v11;
	(erf) = vpow2.f32 v10  }
0x60: {  	v12 =	vmul.f32 $1.442695020e+00, v12;
	v19 =	vld.idx.msk [tilespmem:v19+s3+$0x0], $0xffff;
	v15 =	vmul.f32 $3.000000000e+01, v17;
	v10 =	vsub.f32 v18, v8  }
0x61: {  	s31 =	simm.s32 $0x11;
	v18 =	vadd.s32 s25, v7;
	v13 =	vsub.f32 v13, v8;
	(erf) = vpow2.f32 v11;
	v16 =	vld.idx.msk [tilespmem:v16+s3+$0x0], $0xffff  }
0x62: {  	vm14 =	veq.s32 v6, s31;
	v11 =	vmul.f32 $3.000000000e+01, v10;
	(erf) = vpow2.f32 v12  }
0x63: {  	v12 =	vadd.s32 s24, v7;
	v26 =	vmul.f32 $3.000000000e+01, v13;
	v20 =	vsub.f32 v20, v30  }
0x64: {  	v22 =	vld.idx.msk [tilespmem:v22+s3+$0x0], $0xffff;
	v17 =	vadd.s32 s22, v7;
	v23 =	vadd.s32 s31, v7;
	v13 =	vmul.f32 $1.442695020e+00, v11  }
0x65: {  	v21 =	vld.idx.msk [tilespmem:v21+s3+$0x0], $0xffff;
	v15 =	vmul.f32 $1.442695020e+00, v15;
	v26 =	vmul.f32 $1.442695020e+00, v26;
	v20 =	vsub.f32 v20, v8  }
0x66: {  	v19 =	vsub.f32 v19, v63;
	v18 =	vld.idx.msk [tilespmem:v18+s3+$0x0], $0xffff;
	v10 =	vpop (erf);
	(erf) = vpow2.f32 v13;
	v16 =	vsub.f32 v16, v62  }
0x67: {  	v24 =	vld.idx.msk [tilespmem:v24+s3+$0x0], $0xffff;
	v20 =	vmul.f32 $3.000000000e+01, v20;
	v10 =	vadd.f32 v10, v9;
	v25 =	vpop (erf);
	(erf) = vpow2.f32 v26  }
0x68: {  	v27 =	vld.idx.msk [tilespmem:v12+s3+$0x0], $0xffff;
	v12 =	vadd.f32 v25, v9;
	v11 =	vpop (erf);
	v25 =	vnsel vm9, $0x0, v4;
	v16 =	vsub.f32 v16, v8  }
0x69: {  	v23 =	vld.idx.msk [tilespmem:v23+s3+$0x0], $0xffff;
	(erf) = vpow2.f32 v15;
	v15 =	vnsel vm0, $0x0, v4;
	v11 =	vadd.f32 v11, v9  }
0x6a: {  	v15 =	vsub.f32 v21, v15;
	v21 =	vnsel vm13, $0x0, v4;
	v16 =	vmul.f32 $3.000000000e+01, v16  }
0x6b: {  	v18 =	vsub.f32 v18, v25;
	v25 =	vnsel vm15, $0x0, v4;
	v21 =	vsub.f32 v22, v21  }
0x6c: {  	v22 =	vsub.f32 v24, v25;
	v15 =	vsub.f32 v15, v8;
	v16 =	vmul.f32 $1.442695020e+00, v16  }
0x6d: {  	v26 =	vsub.f32 v27, v29;
	v27 =	vnsel vm14, $0x0, v4;
	v18 =	vsub.f32 v18, v8  }
0x6e: {  	v13 =	vpop (erf);
	v23 =	vsub.f32 v23, v27;
	v15 =	vmul.f32 $3.000000000e+01, v15;
	(erf) = vpow2.f32 v16  }
0x6f: {  	v20 =	vmul.f32 $1.442695020e+00, v20;
	v27 =	vsub.f32 v19, v8;
	v22 =	vsub.f32 v22, v8  }
0x70: {  	v17 =	vld.idx.msk [tilespmem:v17+s3+$0x0], $0xffff;
	v19 =	vpop (erf);
	v21 =	vsub.f32 v21, v8;
	v18 =	vmul.f32 $3.000000000e+01, v18;
	v15 =	vmul.f32 $1.442695020e+00, v15  }
0x71: {  	v23 =	vsub.f32 v23, v8;
	v24 =	vpop (erf);
	v16 =	vmul.f32 $3.000000000e+01, v27;
	(erf) = vpow2.f32 v14  }
0x72: {  	v13 =	vadd.f32 v13, v9;
	v25 =	vpop (erf);
	v14 =	vmul.f32 $3.000000000e+01, v21;
	v21 =	vmul.f32 $3.000000000e+01, v22  }
0x73: {  	v26 =	vsub.f32 v26, v8;
	v23 =	vmul.f32 $3.000000000e+01, v23;
	v22 =	vpop (erf);
	(erf) = vpow2.f32 v15  }
0x74: {  	v15 =	vadd.f32 v22, v9;
	v22 =	vmul.f32 $1.442695020e+00, v14;
	v27 =	vmul.f32 $1.442695020e+00, v21  }
0x75: {  	v14 =	vadd.f32 v24, v9;
	v21 =	vsub.f32 v17, v31;
	(erf) = vpow2.f32 v20  }
0x76: {  	v24 =	vmul.f32 $1.442695020e+00, v16;
	v17 =	vadd.f32 v25, v9;
	v20 =	vmul.f32 $3.000000000e+01, v26  }
0x77: {  	(erf) = vpow2.f32 v22;
	v22 =	vsub.f32 v21, v8;
	v21 =	vmul.f32 $1.442695020e+00, v18;
	v16 =	vpop (erf)  }
0x78: {  	s14 =	simm.s32 $0x13;
	s16 =	simm.s32 $0x1D;
	v18 =	vimm.f32 $0.0e+00;
	(erf) = vpow2.f32 v27;
	v16 =	vadd.f32 v16, v9  }
.LBB2_5:
0x79: {  	s17 =	sadd.s32 $0xFFFFFFF7, s16  }
0x7a: {  	s18 =	sadd.s32 $0xFFFFFFF8, s16;
	s19 =	sadd.s32 $0xFFFFFFF9, s16;
	v25 =	vadd.s32 s14, v7;
	(erf) = vpow2.f32 v24;
	v9 =	vadd.f32 v19, v9;
	s20 =	smov.u32 s16  }
0x7b: {  	s21 =	sadd.s32 $0xFFFFFFFA, s16;
	s22 =	sadd.s32 $0xFFFFFFFB, s16;
	s23 =	sadd.s32 $0xFFFFFFFC, s16;
	v24 =	vadd.s32 s17, v7;
	v19 =	vadd.s32 s18, v7;
	v26 =	vadd.s32 s19, v7;
	v27 =	vpop (erf)  }
0x7c: {  	s15 =	sadd.s32 $0xA, s16;
	v28 =	vadd.s32 s21, v7;
	v29 =	vadd.s32 s22, v7;
	v30 =	vadd.s32 s23, v7;
	s24 =	sadd.s32 $0xFFFFFFFD, s20;
	s25 =	sadd.s32 $0xFFFFFFFE, s20  }
0x7d: {  	p0 =	sne.s32 s16, $0x63;
	s26 =	sadd.s32 $0xFFFFFFFF, s20;
	v31 =	vadd.s32 s24, v7;
	v32 =	vadd.s32 s25, v7;
	v18 =	vadd.f32 v27, v18;
	v33 =	vpop (erf)  }
0x7e: {  	vm2 =	veq.s32 v6, s22;
	vm0 =	veq.s32 v6, s23;
	v27 =	vadd.s32 s26, v7  }
0x7f: {  	vm1 =	veq.s32 v6, s17;
	vm3 =	veq.s32 v6, s19;
	v10 =	vadd.f32 v33, v10;
	v25 =	vld.idx.msk [tilespmem:v25+s3+$0x0], $0xffff;
	v33 =	vpop (erf)  }
0x80: {  	v22 =	vmul.f32 $3.000000000e+01, v22;
	v35 =	vmul.f32 $1.442695020e+00, v23;
	v34 =	vld.idx.msk [tilespmem:v19+s3+$0x0], $0xffff;
	v12 =	vadd.f32 v33, v12;
	v23 =	vpop (erf)  }
0x81: {  	v33 =	vnsel vm3, $0x0, v4;
	vm3 =	veq.s32 v6, s14;
	s14 =	smov.u32 s20;
	v26 =	vld.idx.msk [tilespmem:v26+s3+$0x0], $0xffff;
	v11 =	vadd.f32 v23, v11  }
0x82: {  	vm4 =	veq.s32 v6, s18;
	v23 =	vld.idx.msk [tilespmem:v30+s3+$0x0], $0xffff;
	v30 =	vnsel vm3, $0x0, v4;
	(erf) = vpow2.f32 v35;
	v19 =	vpop (erf)  }
0x83: {  	v35 =	vnsel vm4, $0x0, v4;
	vm3 =	veq.s32 v6, s21;
	v28 =	vld.idx.msk [tilespmem:v28+s3+$0x0], $0xffff;
	v13 =	vadd.f32 v19, v13;
	v19 =	vpop (erf)  }
0x84: {  	v36 =	vnsel vm2, $0x0, v4;
	vm2 =	veq.s32 v6, s24;
	v22 =	vmul.f32 $1.442695020e+00, v22;
	v32 =	vld.idx.msk [tilespmem:v32+s3+$0x0], $0xffff  }
0x85: {  	v37 =	vnsel vm1, $0x0, v4;
	vm1 =	veq.s32 v6, s25;
	v25 =	vsub.f32 v25, v30;
	v29 =	vld.idx.msk [tilespmem:v29+s3+$0x0], $0xffff  }
0x86: {  	v30 =	vnsel vm3, $0x0, v4;
	vm3 =	veq.s32 v6, s26;
	v31 =	vld.idx.msk [tilespmem:v31+s3+$0x0], $0xffff;
	(erf) = vpow2.f32 v22  }
0x87: {  	v22 =	vsub.f32 v34, v35;
	v34 =	vnsel vm1, $0x0, v4;
	v25 =	vsub.f32 v25, v8;
	v27 =	vld.idx.msk [tilespmem:v27+s3+$0x0], $0xffff  }
0x88: {  	v26 =	vsub.f32 v26, v33;
	v33 =	vnsel vm3, $0x0, v4;
	(erf) = vpow2.f32 v21  }
0x89: {  	v21 =	vsub.f32 v28, v30;
	v28 =	vnsel vm0, $0x0, v4;
	v25 =	vmul.f32 $3.000000000e+01, v25  }
0x8a: {  	v23 =	vsub.f32 v23, v28;
	v28 =	vnsel vm2, $0x0, v4;
	v30 =	vsub.f32 v32, v34  }
0x8b: {  	v21 =	vsub.f32 v21, v8;
	v29 =	vsub.f32 v29, v36;
	v25 =	vmul.f32 $1.442695020e+00, v25;
	v32 =	vpop (erf)  }
0x8c: {  	v20 =	vmul.f32 $1.442695020e+00, v20;
	v23 =	vsub.f32 v23, v8;
	v28 =	vsub.f32 v31, v28  }
0x8d: {  	v29 =	vsub.f32 v29, v8;
	v27 =	vsub.f32 v27, v33;
	(erf) = vpow2.f32 v25  }
0x8e: {  	v21 =	vmul.f32 $3.000000000e+01, v21;
	v23 =	vmul.f32 $3.000000000e+01, v23;
	v25 =	vsub.f32 v28, v8;
	v24 =	vld.idx.msk [tilespmem:v24+s3+$0x0], $0xffff  }
0x8f: {  	v28 =	vmul.f32 $3.000000000e+01, v29;
	v29 =	vsub.f32 v30, v8;
	v27 =	vsub.f32 v27, v8;
	v30 =	vpop (erf)  }
0x90: {  	v31 =	vsub.f32 v22, v8;
	v22 =	vmul.f32 $1.442695020e+00, v23;
	(erf) = vpow2.f32 v20  }
0x91: {  	v23 =	vmul.f32 $3.000000000e+01, v25;
	v20 =	vsub.f32 v26, v8;
	v25 =	vmul.f32 $3.000000000e+01, v27;
	v26 =	vpop (erf)  }
0x92: {  	v27 =	vmul.f32 $1.442695020e+00, v28;
	(erf) = vpow2.f32 v22;
	v15 =	vadd.f32 v26, v15  }
.Ltmp1:
0x93: {  	v14 =	vadd.f32 v32, v14;
	v22 =	vmul.f32 $1.442695020e+00, v23;
	v25 =	vmul.f32 $1.442695020e+00, v25;
	(pc) =	sbr.rel @p0 .LBB2_5-.Ltmp1, $4  }
0x94: {  	v28 =	vmul.f32 $3.000000000e+01, v20;
	v23 =	vsub.f32 v24, v37;
	(erf) = vpow2.f32 v27  }
0x95: {  	v17 =	vadd.f32 v30, v17;
	v24 =	vmul.f32 $1.442695020e+00, v21;
	(erf) = vpow2.f32 v22  }
0x96: {  	v20 =	vmul.f32 $3.000000000e+01, v31;
	v21 =	vmul.f32 $1.442695020e+00, v28;
	v22 =	vsub.f32 v23, v8;
	v26 =	vpop (erf)  }
0x97: {  	s16 =	smov.u32 s15;
	v23 =	vmul.f32 $3.000000000e+01, v29;
	(erf) = vpow2.f32 v25;
	v16 =	vadd.f32 v26, v16  }
0x98: {  	v7 =	vadd.s32 s14, v7;
	_ =	sdelay $0x4  }
0x99: {  	v7 =	vld.idx.msk [tilespmem:v7+s3+$0x0], $0xffff;
	_ =	sdelay $0x2  }
0x9a: {  	vm0 =	veq.s32 v6, s14  }
0x9b: {  	v6 =	vnsel vm0, $0x0, v4  }
0x9c: {  	v6 =	vsub.f32 v7, v6;
	_ =	sdelay $0x1  }
0x9d: {  	v42 =	vmul.f32 $3.000000000e+01, v22;
	v6 =	vsub.f32 v6, v8  }
0x9e: {  	(erf) = vpow2.f32 v24;
	v43 =	vmul.f32 $1.442695020e+00, v23  }
0x9f: {  	v7 =	vmul.f32 $1.442695020e+00, v42;
	v6 =	vmul.f32 $3.000000000e+01, v6  }
0xa0: {  	(erf) = vpow2.f32 v43  }
0xa1: {  	(erf) = vpow2.f32 v7;
	v6 =	vmul.f32 $1.442695020e+00, v6  }
0xa2: {  	v44 =	vmul.f32 $1.442695020e+00, v20;
	(erf) = vpow2.f32 v21  }
0xa3: {  	v45 =	vpop (erf);
	(erf) = vpow2.f32 v6  }
0xa4: {  	v46 =	vpop (erf);
	(erf) = vpow2.f32 v44  }
0xa5: {  	v47 =	vpop (erf)  }
0xa6: {  	v48 =	vpop (erf)  }
0xa7: {  	v49 =	vpop (erf)  }
0xa8: {  	v50 =	vpop (erf)  }
0xa9: {  	v9 =	vadd.f32 v19, v9;
	v51 =	vpop (erf)  }
0xaa: {  	v18 =	vadd.f32 v45, v18;
	v25 =	vpop (erf)  }
0xab: {  	v11 =	vadd.f32 v48, v11;
	v9 =	vadd.f32 v50, v9;
	v52 =	vpop (erf)  }
0xac: {  	v7 =	vadd.f32 v47, v12;
	v14 =	vadd.f32 v51, v14;
	v53 =	vpop (erf)  }
0xad: {  	v6 =	vadd.f32 v46, v10;
	v55 =	vadd.f32 v25, v17;
	v56 =	vpop (erf)  }
0xae: {  	v54 =	vadd.f32 v52, v15;
	v17 =	vadd.f32 v56, v18  }
0xaf: {  	v57 =	vadd.f32 v14, v11;
	v6 =	vadd.f32 v6, v7  }
0xb0: {  	v9 =	vadd.f32 v9, v54;
	v15 =	vadd.f32 v17, v55  }
0xb1: {  	v58 =	vadd.f32 v49, v13;
	v6 =	vadd.f32 v57, v6  }
0xb2: {  	v10 =	vadd.f32 v53, v16;
	v9 =	vadd.f32 v9, v15;
	_ =	sdelay $0x1  }
0xb3: {  	v59 =	vadd.f32 v10, v58;
	v6 =	vadd.f32 v6, v9;
	_ =	sdelay $0x1  }
0xb4: {  	v6 =	vadd.f32 v59, v6;
	_ =	sdelay $0x1  }
0xb5: {  	v7 =	vand.u32 $0x7FFFFF, v6  }
0xb6: {  	v7 =	vor.u32 $0x3F800000, v7  }
0xb7: {  	v60 =	vmul.f32 $5.000000000e-01, v7  }
0xb8: {  	vm15 =	vgt.f32 v7, $1.414213540e+00  }
0xb9: {  	v7 =	vsel vm15, v60, v7  }
0xba: {  	v9 =	vadd.f32 $1.000000000e+00, v7;
	_ =	sdelay $0x1  }
0xbb: {  	(erf) = vrcp.f32 v9;
	_ =	sdelay $0x7  }
0xbc: {  	v7 =	vadd.f32 $-1.000000000e+00, v7  }
0xbd: {  	v9 =	vpop (erf)  }
0xbe: {  	v7 =	vmul.f32 v9, v7;
	_ =	sdelay $0x1  }
0xbf: {  	v9 =	vmul.f32 v7, v7;
	_ =	sdelay $0x1  }
0xc0: {  	v61 =	vmul.f32 $1.428571490e-01, v9;
	_ =	sdelay $0x1  }
0xc1: {  	v10 =	vadd.f32 $2.000000030e-01, v61;
	_ =	sdelay $0x1  }
0xc2: {  	v10 =	vmul.f32 v10, v9;
	_ =	sdelay $0x1  }
0xc3: {  	v10 =	vadd.f32 $3.333333430e-01, v10;
	_ =	sdelay $0x1  }
0xc4: {  	v6 =	vshra.s32 v6, $0x17;
	v62 =	vsel vm15, $0xFFFFFF82, v2;
	v9 =	vmul.f32 v10, v9  }
0xc5: {  	v5 =	vsub.f32 v8, v5;
	v6 =	vadd.s32 v6, v62  }
0xc6: {  	v6 =	vcvt.s32.f32 v6;
	v7 =	vadd.f32 v7, v7;
	v63 =	vadd.f32 $1.000000000e+00, v9;
	_ =	sdelay $0x1  }
0xc7: {  	s13 =	sadd.s32 $0x1, s13;
	v4 =	vadd.f32 v5, v4;
	v6 =	vmul.f32 $6.931471820e-01, v6;
	v5 =	vmul.f32 v63, v7  }
0xc8: {  	p0 =	sne.s32 s13, $0x10  }
.Ltmp2:
0xc9: {  	v4 =	vmul.f32 $3.000000000e+01, v4;
	v5 =	vadd.f32 v5, v6;
	(pc) =	sbr.rel @p0 .LBB2_2-.Ltmp2, $3  }
0xca: {  	_ = 	snop  }
0xcb: {  	v4 =	vadd.f32 v5, v4;
	_ =	sdelay $0x1  }
0xcc: {  	v3 =	vadd.f32 v4, v3  }
0xcd: {  	_ = 	snop  }
0xce: {  	s12 =	sadd.s32 $0x1, s12;
	v3 =	vmul.f32 $6.103515630e-05, v3  }
0xcf: {  	p0 =	sne.s32 s12, s7  }
.Ltmp3:
0xd0: {  	[tilespmem:$0x6580] =	vst v3;
	(pc) =	sbr.rel @p0 .LBB2_1-.Ltmp3, $4  }
0xd1: {  	[hbm4b:s6+s3] =	stream.linear.scatter [tilespmem:s11], [sflag:$0x1], $0x80, $0x38;
	[tilespmem:$0x6600] =	vst v63  }
0xd2: {  	_ =	swait.ge [sflag:s8], $0x80  }
0xd3: {  	[sflag:s8] =	ssyncset.done $0x0  }
0xd4: {  	[sflag:s8] =	ssyncadd.s32 $0xFFFFFF80  }
0xd5: {  	_ =	sfence.sel $0x180000  }
0xd6: {  	[bflag:$0x0] =	sbarrier.arrive $0xFFFF  }
0xd7: {  	p0 =	sne.s32 s1, $0x0;
	_ =	strace $0x90000047  }
0xd8: {  	s0 =	sadd.s32 @!p0 $0x100000, s0;
	[bflag:$0x2] =	sbarrier.arrive $0xFFFF  }
0xd9: {  	[sflag:s0] =	ssyncadd.tile.s32 @!p0 $0x1;
	_ =	shalt  }
.Lfunc_end2:
_tile_overlayer_lowered:
.L_overlay_start_2:
0xda: {  	(tag) =	ssettag $0x2  }
0xdb: {  	s0 =	rddreg [dreg:$0x0];
	s2 =	stileid.u32  }
0xdc: {  	s1 =	rddreg [dreg:$0x1];
	p0 =	sne.s32 s2, $0x0  }
0xdd: {  	s3 =	rddreg [dreg:$0x2];
	[bflag:$0x3] =	sbarrier.arrive $0xFFFF;
	s2 =	simm.s32 @!p0 $0x1C01  }
0xde: {  	[timem:s3], [sflag:s2] =	dma.local @!p0 [hbm:s0], s1  }
0xdf: {  	s0 =	simm.s32 @!p0 $0x1  }
0xe0: {  	_ =	swait.ge @!p0 [sflag:s0], s1  }
0xe1: {  	s1 =	ssub.s32 @!p0 $0x0, s1;
	[sflag:s0] =	ssyncset.done @!p0 $0x0  }
0xe2: {  	[sflag:s0] =	ssyncadd.s32 @!p0 s1  }
0xe3: {  	[bflag:$0x3] =	sbarrier.arrive $0xFFFF  }
0xe4: {  	_ =	shalt  }

</sc_bundles>
